<compile_context>
chip_gen: v7x
topology: tpu7x:2x2x1
jax: 0.10.2.dev20260603
libtpu: 0.0.44.dev20260713+nightly
codegen_flags: <defaults>
</compile_context>

<pallas_src>
import functools

import jax
import jax.numpy as jnp
from jax import lax
from jax.experimental import pallas as pl
from jax.experimental.pallas import tpu as pltpu
from jax.experimental.pallas import tpu_sc as plsc

_D = 64
_K = 1024
_BT = 2048
_NC = 1
_NS = 16
_NW = _NC * _NS
_CHUNK = 128

def _distargmin_body(x_ref, emb_ref, idx_ref, loss_ref, table_ref,
                     e_sq_ref, tbl2_ref):
    i = pl.program_id(0)
    nb = pl.num_programs(0)
    x = x_ref[...]
    emb = emb_ref[...]

    @pl.when(i == 0)
    def _init():
        loss_ref[0, 0] = 0.0
        tbl = emb.T
        table_ref[...] = tbl
        e_sq_ref[...] = jnp.broadcast_to(
            jnp.sum(emb * emb, axis=0, keepdims=True).T, (_K, _BT))
        tbl2_ref[...] = tbl + tbl

    x_sq = jnp.sum(x * x, axis=1, keepdims=True)
    xsq_b = jnp.broadcast_to(x_sq.T, (8, _BT))

    minv = jnp.full((8, _BT), jnp.inf)
    idxc = jnp.zeros((8, _BT))
    for b in range(_K // 128):
        sim_b = lax.dot_general(tbl2_ref[b * 128:(b + 1) * 128, :], x,
                                (((1,), (1,)), ((), ())),
                                preferred_element_type=jnp.float32)
        for jj in range(16):
            j = b * 16 + jj
            sim_c = lax.slice(sim_b, (jj * 8, 0), (jj * 8 + 8, _BT))
            esq_c = e_sq_ref[j * 8:(j + 1) * 8, :]
            dist = (xsq_b + esq_c) - sim_c
            lt = dist < minv
            minv = jnp.minimum(minv, dist)
            idxc = jnp.where(lt, jnp.full((8, _BT), float(j)), idxc)

    m = jnp.min(minv, axis=0, keepdims=True)
    sub = lax.broadcasted_iota(jnp.int32, (8, _BT), 0).astype(jnp.float32)
    gidx = idxc * 8.0 + sub
    idxrow = jnp.min(jnp.where(minv == m, gidx, float(_K)),
                     axis=0, keepdims=True)
    idx_ref[...] = idxrow.astype(jnp.int32).reshape(1, 1, _BT)

    loss_ref[0, 0] += jnp.sum(m)

    @pl.when(i == nb - 1)
    def _fini():
        loss_ref[0, 0] = loss_ref[0, 0] * (1.25 / (nb * _BT * _D))


def _distargmin(x_flat, embeddings):
    t = x_flat.shape[0]
    nb = t // _BT
    return pl.pallas_call(
        _distargmin_body,
        grid=(nb,),
        in_specs=[
            pl.BlockSpec((_BT, _D), lambda i: (i, 0)),
            pl.BlockSpec((_D, _K), lambda i: (0, 0)),
        ],
        out_specs=[
            pl.BlockSpec((1, 1, _BT), lambda i: (i, 0, 0)),
            pl.BlockSpec(memory_space=pltpu.SMEM),
            pl.BlockSpec((_K, _D), lambda i: (0, 0)),
        ],
        out_shape=[
            jax.ShapeDtypeStruct((nb, 1, _BT), jnp.int32),
            jax.ShapeDtypeStruct((1, 1), jnp.float32),
            jax.ShapeDtypeStruct((_K, _D), jnp.float32),
        ],
        scratch_shapes=[
            pltpu.VMEM((_K, _BT), jnp.float32),
            pltpu.VMEM((_K, _D), jnp.float32),
        ],
    )(x_flat, embeddings)


def _make_sc_gather(t):
    b_per_w = t // _NW
    n_chunks = b_per_w // _CHUNK
    mesh = plsc.VectorSubcoreMesh(core_axis_name="c", subcore_axis_name="s",
                                  num_cores=1)

    @functools.partial(
        pl.kernel,
        mesh=mesh,
        out_type=jax.ShapeDtypeStruct((t, _D), jnp.float32),
        compiler_params=pltpu.CompilerParams(use_tc_tiling_on_sc=False),
        scratch_types=[
            pltpu.VMEM((n_chunks, _CHUNK), jnp.int32),
            pltpu.VMEM((b_per_w, _D), jnp.float32),
            pltpu.SemaphoreType.DMA,
            pltpu.SemaphoreType.DMA,
        ],
    )
    def gather(table_hbm, idx_hbm, out_hbm, idx_v, rows_v, gsem, osem):
        wid = lax.axis_index("s") * _NC + lax.axis_index("c")
        pltpu.sync_copy(idx_hbm.at[pl.ds(wid * n_chunks, n_chunks)], idx_v)
        gathers = [
            pltpu.async_copy(
                table_hbm.at[idx_v.at[j]],
                rows_v.at[pl.ds(j * _CHUNK, _CHUNK)],
                gsem,
            )
            for j in range(n_chunks)
        ]
        outs = []
        for j in range(n_chunks):
            gathers[j].wait()
            outs.append(pltpu.async_copy(
                rows_v.at[pl.ds(j * _CHUNK, _CHUNK)],
                out_hbm.at[pl.ds(wid * b_per_w + j * _CHUNK, _CHUNK)],
                osem,
            ))
        for o in outs:
            o.wait()

    return gather


def kernel(x, embeddings):
    x_flat = x.reshape(-1, _D)
    t = x_flat.shape[0]
    idx2, vq_loss, table = _distargmin(x_flat, embeddings)
    q = _make_sc_gather(t)(table, idx2.reshape(t // _CHUNK, _CHUNK))
    quantized_st = q.reshape(x.shape)
    return quantized_st, vq_loss[0, 0]

# --- scband reference (transcript-rebuilt; emitter-appended) ---
"""Pipeline reference for scband-vector-quantizer-43559558316121 (READ-ONLY COPY).

The authoritative reference and input builder live on the scoring server;
editing this copy changes nothing except your own understanding.
"""

import jax, jax.numpy as jnp
import numpy as np

NUM_EMBEDDINGS = 1024
EMBEDDING_DIM = 64
BETA = 0.25


def setup_inputs(seed: int = 0) -> dict:
    key = jax.random.key(seed)
    k1, k2 = jax.random.split(key)
    x = jax.random.normal(k1, (16, 32, 32, EMBEDDING_DIM), dtype=jnp.float32)
    # tf.random_uniform_initializer() default: uniform in [-0.05, 0.05]
    embeddings = jax.random.uniform(
        k2, (EMBEDDING_DIM, NUM_EMBEDDINGS), dtype=jnp.float32,
        minval=-0.05, maxval=0.05)
    return {"x": x, "embeddings": embeddings}


def reference(x, embeddings):
    input_shape = x.shape
    flattened = x.reshape(-1, EMBEDDING_DIM)
    # get_code_indices
    similarity = flattened @ embeddings
    distances = (jnp.sum(flattened ** 2, axis=1, keepdims=True)
                 + jnp.sum(embeddings ** 2, axis=0)
                 - 2.0 * similarity)
    encoding_indices = jnp.argmin(distances, axis=1)
    # one_hot @ embeddings.T == row-gather from embeddings.T
    quantized = jnp.take(embeddings.T, encoding_indices, axis=0)
    quantized = quantized.reshape(input_shape)
    commitment_loss = jnp.mean((jax.lax.stop_gradient(quantized) - x) ** 2)
    codebook_loss = jnp.mean((quantized - jax.lax.stop_gradient(x)) ** 2)
    vq_loss = BETA * commitment_loss + codebook_loss
    # straight-through estimator
    quantized_st = x + jax.lax.stop_gradient(quantized - x)
    return (quantized_st, vq_loss)

if __name__ == "__main__":
    import jax
    _d = setup_inputs()
    print(jax.jit(kernel)(*tuple(_d.values())))

</pallas_src>

<mosaic_0001>
#map = affine_map<(d0, d1) -> (0, 0)>
module attributes {stable_mosaic.version = 14 : i64} {
  func.func @gather(%arg0: i32, %arg1: i32, %arg2: memref<1024x64xf32, #tpu.memory_space<hbm>>, %arg3: memref<128x128xi32, #tpu.memory_space<hbm>>, %arg4: memref<16384x64xf32, #tpu.memory_space<hbm>>, %arg5: memref<8x128xi32, #tpu.memory_space<vmem>>, %arg6: memref<1024x64xf32, #tpu.memory_space<vmem>>, %arg7: memref<!tpu.dma_semaphore, #tpu.memory_space<semaphore_mem>>, %arg8: memref<!tpu.dma_semaphore, #tpu.memory_space<semaphore_mem>>) attributes {dimension_semantics = [#tpu.dimension_semantics<core_parallel>, #tpu.dimension_semantics<subcore_parallel>], iteration_bounds = array<i64: 1, 16>, scalar_prefetch = 0 : i64, scratch_operands = 4 : i64, tpu.core_type = #tpu.core_type<sc_vector_subcore>, window_params = [{transform_indices = #map}, {transform_indices = #map}, {transform_indices = #map}]} {
    %mul3A = arith.constant 1 : i32
    %mul3A_0 = arith.muli %arg1, %mul3A : i32
    %add3A = arith.addi %mul3A_0, %arg0 : i32
    %mul3A_1 = arith.constant 8 : i32
    %mul3A_2 = arith.muli %add3A, %mul3A_1 : i32
    "tpu.region"() ({
      %run_scoped3A = tpu.sem_alloc : memref<!tpu.dma_semaphore, #tpu.memory_space<semaphore_mem>>
      %dma_start3A_353 = arith.constant 0 : i32
      %dma_start3A_354 = tpu.memref_slice %arg3[%mul3A_2, %dma_start3A_353] : memref<128x128xi32, #tpu.memory_space<hbm>> -> memref<8x128xi32, #tpu.memory_space<hbm>>
      %dma_start3A_355 = arith.constant 0 : i32
      %dma_start3A_356 = tpu.memref_slice %arg3[%mul3A_2, %dma_start3A_355] : memref<128x128xi32, #tpu.memory_space<hbm>> -> memref<8x128xi32, #tpu.memory_space<hbm>>
      tpu.enqueue_dma source(%dma_start3A_356 : memref<8x128xi32, #tpu.memory_space<hbm>>) target(%arg5 : memref<8x128xi32, #tpu.memory_space<vmem>>) target_semaphore(%run_scoped3A : memref<!tpu.dma_semaphore, #tpu.memory_space<semaphore_mem>>)
      %dma_wait3A_357 = arith.constant 0 : i32
      %dma_wait3A_358 = tpu.memref_slice %arg3[%mul3A_2, %dma_wait3A_357] : memref<128x128xi32, #tpu.memory_space<hbm>> -> memref<8x128xi32, #tpu.memory_space<hbm>>
      %dma_wait3A_359 = arith.constant 0 : i32
      %dma_wait3A_360 = tpu.memref_slice %arg3[%mul3A_2, %dma_wait3A_359] : memref<128x128xi32, #tpu.memory_space<hbm>> -> memref<8x128xi32, #tpu.memory_space<hbm>>
      tpu.wait_dma2 semaphore(%run_scoped3A : memref<!tpu.dma_semaphore, #tpu.memory_space<semaphore_mem>>) src(%dma_wait3A_360 : memref<8x128xi32, #tpu.memory_space<hbm>>) dst(%arg5 : memref<8x128xi32, #tpu.memory_space<vmem>>)
      tpu.yield
    }) : () -> ()
    %dma_start3A = arith.constant 0 : i32
    %dma_start3A_3 = arith.constant 0 : i32
    %dma_start3A_4 = arith.constant 0 : i32
    %dma_start3A_5 = tpu.memref_slice %arg6[%dma_start3A_3, %dma_start3A_4] : memref<1024x64xf32, #tpu.memory_space<vmem>> -> memref<128x64xf32, #tpu.memory_space<vmem>>
    %dma_start3A_6 = arith.constant 0 : i32
    %dma_start3A_7 = tpu.memref_slice %arg5[%dma_start3A, %dma_start3A_6] : memref<8x128xi32, #tpu.memory_space<vmem>> -> memref<1x128xi32, #tpu.memory_space<vmem>>
    %dma_start3A_8 = tpu.memref_squeeze %dma_start3A_7 : memref<1x128xi32, #tpu.memory_space<vmem>> -> memref<128xi32, #tpu.memory_space<vmem>>
    %dma_start3A_9 = arith.constant 0 : i32
    %dma_start3A_10 = arith.constant 0 : i32
    %dma_start3A_11 = tpu.memref_slice %arg2[%dma_start3A_9, %dma_start3A_10] : memref<1024x64xf32, #tpu.memory_space<hbm>> -> memref<1024x64xf32, #tpu.memory_space<hbm>>
    tpu.enqueue_indirect_dma source(%dma_start3A_11 : memref<1024x64xf32, #tpu.memory_space<hbm>>) target(%dma_start3A_5 : memref<128x64xf32, #tpu.memory_space<vmem>>) offsets(%dma_start3A_8 : memref<128xi32, #tpu.memory_space<vmem>>) semaphore(%arg7 : memref<!tpu.dma_semaphore, #tpu.memory_space<semaphore_mem>>)
    %dma_start3A_12 = arith.constant 1 : i32
    %dma_start3A_13 = arith.constant 128 : i32
    %dma_start3A_14 = arith.constant 0 : i32
    %dma_start3A_15 = tpu.memref_slice %arg6[%dma_start3A_13, %dma_start3A_14] : memref<1024x64xf32, #tpu.memory_space<vmem>> -> memref<128x64xf32, #tpu.memory_space<vmem>>
    %dma_start3A_16 = arith.constant 0 : i32
    %dma_start3A_17 = tpu.memref_slice %arg5[%dma_start3A_12, %dma_start3A_16] : memref<8x128xi32, #tpu.memory_space<vmem>> -> memref<1x128xi32, #tpu.memory_space<vmem>>
    %dma_start3A_18 = tpu.memref_squeeze %dma_start3A_17 : memref<1x128xi32, #tpu.memory_space<vmem>> -> memref<128xi32, #tpu.memory_space<vmem>>
    %dma_start3A_19 = arith.constant 0 : i32
    %dma_start3A_20 = arith.constant 0 : i32
    %dma_start3A_21 = tpu.memref_slice %arg2[%dma_start3A_19, %dma_start3A_20] : memref<1024x64xf32, #tpu.memory_space<hbm>> -> memref<1024x64xf32, #tpu.memory_space<hbm>>
    tpu.enqueue_indirect_dma source(%dma_start3A_21 : memref<1024x64xf32, #tpu.memory_space<hbm>>) target(%dma_start3A_15 : memref<128x64xf32, #tpu.memory_space<vmem>>) offsets(%dma_start3A_18 : memref<128xi32, #tpu.memory_space<vmem>>) semaphore(%arg7 : memref<!tpu.dma_semaphore, #tpu.memory_space<semaphore_mem>>)
    %dma_start3A_22 = arith.constant 2 : i32
    %dma_start3A_23 = arith.constant 256 : i32
    %dma_start3A_24 = arith.constant 0 : i32
    %dma_start3A_25 = tpu.memref_slice %arg6[%dma_start3A_23, %dma_start3A_24] : memref<1024x64xf32, #tpu.memory_space<vmem>> -> memref<128x64xf32, #tpu.memory_space<vmem>>
    %dma_start3A_26 = arith.constant 0 : i32
    %dma_start3A_27 = tpu.memref_slice %arg5[%dma_start3A_22, %dma_start3A_26] : memref<8x128xi32, #tpu.memory_space<vmem>> -> memref<1x128xi32, #tpu.memory_space<vmem>>
    %dma_start3A_28 = tpu.memref_squeeze %dma_start3A_27 : memref<1x128xi32, #tpu.memory_space<vmem>> -> memref<128xi32, #tpu.memory_space<vmem>>
    %dma_start3A_29 = arith.constant 0 : i32
    %dma_start3A_30 = arith.constant 0 : i32
    %dma_start3A_31 = tpu.memref_slice %arg2[%dma_start3A_29, %dma_start3A_30] : memref<1024x64xf32, #tpu.memory_space<hbm>> -> memref<1024x64xf32, #tpu.memory_space<hbm>>
    tpu.enqueue_indirect_dma source(%dma_start3A_31 : memref<1024x64xf32, #tpu.memory_space<hbm>>) target(%dma_start3A_25 : memref<128x64xf32, #tpu.memory_space<vmem>>) offsets(%dma_start3A_28 : memref<128xi32, #tpu.memory_space<vmem>>) semaphore(%arg7 : memref<!tpu.dma_semaphore, #tpu.memory_space<semaphore_mem>>)
    %dma_start3A_32 = arith.constant 3 : i32
    %dma_start3A_33 = arith.constant 384 : i32
    %dma_start3A_34 = arith.constant 0 : i32
    %dma_start3A_35 = tpu.memref_slice %arg6[%dma_start3A_33, %dma_start3A_34] : memref<1024x64xf32, #tpu.memory_space<vmem>> -> memref<128x64xf32, #tpu.memory_space<vmem>>
    %dma_start3A_36 = arith.constant 0 : i32
    %dma_start3A_37 = tpu.memref_slice %arg5[%dma_start3A_32, %dma_start3A_36] : memref<8x128xi32, #tpu.memory_space<vmem>> -> memref<1x128xi32, #tpu.memory_space<vmem>>
    %dma_start3A_38 = tpu.memref_squeeze %dma_start3A_37 : memref<1x128xi32, #tpu.memory_space<vmem>> -> memref<128xi32, #tpu.memory_space<vmem>>
    %dma_start3A_39 = arith.constant 0 : i32
    %dma_start3A_40 = arith.constant 0 : i32
    %dma_start3A_41 = tpu.memref_slice %arg2[%dma_start3A_39, %dma_start3A_40] : memref<1024x64xf32, #tpu.memory_space<hbm>> -> memref<1024x64xf32, #tpu.memory_space<hbm>>
    tpu.enqueue_indirect_dma source(%dma_start3A_41 : memref<1024x64xf32, #tpu.memory_space<hbm>>) target(%dma_start3A_35 : memref<128x64xf32, #tpu.memory_space<vmem>>) offsets(%dma_start3A_38 : memref<128xi32, #tpu.memory_space<vmem>>) semaphore(%arg7 : memref<!tpu.dma_semaphore, #tpu.memory_space<semaphore_mem>>)
    %dma_start3A_42 = arith.constant 4 : i32
    %dma_start3A_43 = arith.constant 512 : i32
    %dma_start3A_44 = arith.constant 0 : i32
    %dma_start3A_45 = tpu.memref_slice %arg6[%dma_start3A_43, %dma_start3A_44] : memref<1024x64xf32, #tpu.memory_space<vmem>> -> memref<128x64xf32, #tpu.memory_space<vmem>>
    %dma_start3A_46 = arith.constant 0 : i32
    %dma_start3A_47 = tpu.memref_slice %arg5[%dma_start3A_42, %dma_start3A_46] : memref<8x128xi32, #tpu.memory_space<vmem>> -> memref<1x128xi32, #tpu.memory_space<vmem>>
    %dma_start3A_48 = tpu.memref_squeeze %dma_start3A_47 : memref<1x128xi32, #tpu.memory_space<vmem>> -> memref<128xi32, #tpu.memory_space<vmem>>
    %dma_start3A_49 = arith.constant 0 : i32
    %dma_start3A_50 = arith.constant 0 : i32
    %dma_start3A_51 = tpu.memref_slice %arg2[%dma_start3A_49, %dma_start3A_50] : memref<1024x64xf32, #tpu.memory_space<hbm>> -> memref<1024x64xf32, #tpu.memory_space<hbm>>
    tpu.enqueue_indirect_dma source(%dma_start3A_51 : memref<1024x64xf32, #tpu.memory_space<hbm>>) target(%dma_start3A_45 : memref<128x64xf32, #tpu.memory_space<vmem>>) offsets(%dma_start3A_48 : memref<128xi32, #tpu.memory_space<vmem>>) semaphore(%arg7 : memref<!tpu.dma_semaphore, #tpu.memory_space<semaphore_mem>>)
    %dma_start3A_52 = arith.constant 5 : i32
    %dma_start3A_53 = arith.constant 640 : i32
    %dma_start3A_54 = arith.constant 0 : i32
    %dma_start3A_55 = tpu.memref_slice %arg6[%dma_start3A_53, %dma_start3A_54] : memref<1024x64xf32, #tpu.memory_space<vmem>> -> memref<128x64xf32, #tpu.memory_space<vmem>>
    %dma_start3A_56 = arith.constant 0 : i32
    %dma_start3A_57 = tpu.memref_slice %arg5[%dma_start3A_52, %dma_start3A_56] : memref<8x128xi32, #tpu.memory_space<vmem>> -> memref<1x128xi32, #tpu.memory_space<vmem>>
    %dma_start3A_58 = tpu.memref_squeeze %dma_start3A_57 : memref<1x128xi32, #tpu.memory_space<vmem>> -> memref<128xi32, #tpu.memory_space<vmem>>
    %dma_start3A_59 = arith.constant 0 : i32
    %dma_start3A_60 = arith.constant 0 : i32
    %dma_start3A_61 = tpu.memref_slice %arg2[%dma_start3A_59, %dma_start3A_60] : memref<1024x64xf32, #tpu.memory_space<hbm>> -> memref<1024x64xf32, #tpu.memory_space<hbm>>
    tpu.enqueue_indirect_dma source(%dma_start3A_61 : memref<1024x64xf32, #tpu.memory_space<hbm>>) target(%dma_start3A_55 : memref<128x64xf32, #tpu.memory_space<vmem>>) offsets(%dma_start3A_58 : memref<128xi32, #tpu.memory_space<vmem>>) semaphore(%arg7 : memref<!tpu.dma_semaphore, #tpu.memory_space<semaphore_mem>>)
    %dma_start3A_62 = arith.constant 6 : i32
    %dma_start3A_63 = arith.constant 768 : i32
    %dma_start3A_64 = arith.constant 0 : i32
    %dma_start3A_65 = tpu.memref_slice %arg6[%dma_start3A_63, %dma_start3A_64] : memref<1024x64xf32, #tpu.memory_space<vmem>> -> memref<128x64xf32, #tpu.memory_space<vmem>>
    %dma_start3A_66 = arith.constant 0 : i32
    %dma_start3A_67 = tpu.memref_slice %arg5[%dma_start3A_62, %dma_start3A_66] : memref<8x128xi32, #tpu.memory_space<vmem>> -> memref<1x128xi32, #tpu.memory_space<vmem>>
    %dma_start3A_68 = tpu.memref_squeeze %dma_start3A_67 : memref<1x128xi32, #tpu.memory_space<vmem>> -> memref<128xi32, #tpu.memory_space<vmem>>
    %dma_start3A_69 = arith.constant 0 : i32
    %dma_start3A_70 = arith.constant 0 : i32
    %dma_start3A_71 = tpu.memref_slice %arg2[%dma_start3A_69, %dma_start3A_70] : memref<1024x64xf32, #tpu.memory_space<hbm>> -> memref<1024x64xf32, #tpu.memory_space<hbm>>
    tpu.enqueue_indirect_dma source(%dma_start3A_71 : memref<1024x64xf32, #tpu.memory_space<hbm>>) target(%dma_start3A_65 : memref<128x64xf32, #tpu.memory_space<vmem>>) offsets(%dma_start3A_68 : memref<128xi32, #tpu.memory_space<vmem>>) semaphore(%arg7 : memref<!tpu.dma_semaphore, #tpu.memory_space<semaphore_mem>>)
    %dma_start3A_72 = arith.constant 7 : i32
    %dma_start3A_73 = arith.constant 896 : i32
    %dma_start3A_74 = arith.constant 0 : i32
    %dma_start3A_75 = tpu.memref_slice %arg6[%dma_start3A_73, %dma_start3A_74] : memref<1024x64xf32, #tpu.memory_space<vmem>> -> memref<128x64xf32, #tpu.memory_space<vmem>>
    %dma_start3A_76 = arith.constant 0 : i32
    %dma_start3A_77 = tpu.memref_slice %arg5[%dma_start3A_72, %dma_start3A_76] : memref<8x128xi32, #tpu.memory_space<vmem>> -> memref<1x128xi32, #tpu.memory_space<vmem>>
    %dma_start3A_78 = tpu.memref_squeeze %dma_start3A_77 : memref<1x128xi32, #tpu.memory_space<vmem>> -> memref<128xi32, #tpu.memory_space<vmem>>
    %dma_start3A_79 = arith.constant 0 : i32
    %dma_start3A_80 = arith.constant 0 : i32
    %dma_start3A_81 = tpu.memref_slice %arg2[%dma_start3A_79, %dma_start3A_80] : memref<1024x64xf32, #tpu.memory_space<hbm>> -> memref<1024x64xf32, #tpu.memory_space<hbm>>
    tpu.enqueue_indirect_dma source(%dma_start3A_81 : memref<1024x64xf32, #tpu.memory_space<hbm>>) target(%dma_start3A_75 : memref<128x64xf32, #tpu.memory_space<vmem>>) offsets(%dma_start3A_78 : memref<128xi32, #tpu.memory_space<vmem>>) semaphore(%arg7 : memref<!tpu.dma_semaphore, #tpu.memory_space<semaphore_mem>>)
    %dma_wait3A = arith.constant 0 : i32
    %dma_wait3A_82 = arith.constant 0 : i32
    %dma_wait3A_83 = arith.constant 0 : i32
    %dma_wait3A_84 = tpu.memref_slice %arg6[%dma_wait3A_82, %dma_wait3A_83] : memref<1024x64xf32, #tpu.memory_space<vmem>> -> memref<128x64xf32, #tpu.memory_space<vmem>>
    %dma_wait3A_85 = arith.constant 0 : i32
    %dma_wait3A_86 = tpu.memref_slice %arg5[%dma_wait3A, %dma_wait3A_85] : memref<8x128xi32, #tpu.memory_space<vmem>> -> memref<1x128xi32, #tpu.memory_space<vmem>>
    %dma_wait3A_87 = tpu.memref_squeeze %dma_wait3A_86 : memref<1x128xi32, #tpu.memory_space<vmem>> -> memref<128xi32, #tpu.memory_space<vmem>>
    %dma_wait3A_88 = arith.constant 0 : i32
    %dma_wait3A_89 = arith.constant 0 : i32
    %dma_wait3A_90 = tpu.memref_slice %arg2[%dma_wait3A_88, %dma_wait3A_89] : memref<1024x64xf32, #tpu.memory_space<hbm>> -> memref<1024x64xf32, #tpu.memory_space<hbm>>
    tpu.wait_indirect_dma semaphore(%arg7 : memref<!tpu.dma_semaphore, #tpu.memory_space<semaphore_mem>>) src(%dma_wait3A_90 : memref<1024x64xf32, #tpu.memory_space<hbm>>) dst(%dma_wait3A_84 : memref<128x64xf32, #tpu.memory_space<vmem>>)
    %mul3A_91 = arith.constant 1024 : i32
    %mul3A_92 = arith.muli %add3A, %mul3A_91 : i32
    %add3A_93 = arith.constant 0 : i32
    %add3A_94 = arith.addi %mul3A_92, %add3A_93 : i32
    %dma_start3A_95 = arith.constant 0 : i32
    %dma_start3A_96 = arith.constant 0 : i32
    %dma_start3A_97 = tpu.memref_slice %arg6[%dma_start3A_95, %dma_start3A_96] : memref<1024x64xf32, #tpu.memory_space<vmem>> -> memref<128x64xf32, #tpu.memory_space<vmem>>
    %dma_start3A_98 = arith.constant 0 : i32
    %dma_start3A_99 = tpu.memref_slice %arg4[%add3A_94, %dma_start3A_98] : memref<16384x64xf32, #tpu.memory_space<hbm>> -> memref<128x64xf32, #tpu.memory_space<hbm>>
    %dma_start3A_100 = arith.constant 0 : i32
    %dma_start3A_101 = tpu.memref_slice %arg4[%add3A_94, %dma_start3A_100] : memref<16384x64xf32, #tpu.memory_space<hbm>> -> memref<128x64xf32, #tpu.memory_space<hbm>>
    %dma_start3A_102 = arith.constant 0 : i32
    %dma_start3A_103 = arith.constant 0 : i32
    %dma_start3A_104 = tpu.memref_slice %arg6[%dma_start3A_102, %dma_start3A_103] : memref<1024x64xf32, #tpu.memory_space<vmem>> -> memref<128x64xf32, #tpu.memory_space<vmem>>
    tpu.enqueue_dma source(%dma_start3A_104 : memref<128x64xf32, #tpu.memory_space<vmem>>) target(%dma_start3A_101 : memref<128x64xf32, #tpu.memory_space<hbm>>) target_semaphore(%arg8 : memref<!tpu.dma_semaphore, #tpu.memory_space<semaphore_mem>>)
    %dma_wait3A_105 = arith.constant 1 : i32
    %dma_wait3A_106 = arith.constant 128 : i32
    %dma_wait3A_107 = arith.constant 0 : i32
    %dma_wait3A_108 = tpu.memref_slice %arg6[%dma_wait3A_106, %dma_wait3A_107] : memref<1024x64xf32, #tpu.memory_space<vmem>> -> memref<128x64xf32, #tpu.memory_space<vmem>>
    %dma_wait3A_109 = arith.constant 0 : i32
    %dma_wait3A_110 = tpu.memref_slice %arg5[%dma_wait3A_105, %dma_wait3A_109] : memref<8x128xi32, #tpu.memory_space<vmem>> -> memref<1x128xi32, #tpu.memory_space<vmem>>
    %dma_wait3A_111 = tpu.memref_squeeze %dma_wait3A_110 : memref<1x128xi32, #tpu.memory_space<vmem>> -> memref<128xi32, #tpu.memory_space<vmem>>
    %dma_wait3A_112 = arith.constant 0 : i32
    %dma_wait3A_113 = arith.constant 0 : i32
    %dma_wait3A_114 = tpu.memref_slice %arg2[%dma_wait3A_112, %dma_wait3A_113] : memref<1024x64xf32, #tpu.memory_space<hbm>> -> memref<1024x64xf32, #tpu.memory_space<hbm>>
    tpu.wait_indirect_dma semaphore(%arg7 : memref<!tpu.dma_semaphore, #tpu.memory_space<semaphore_mem>>) src(%dma_wait3A_114 : memref<1024x64xf32, #tpu.memory_space<hbm>>) dst(%dma_wait3A_108 : memref<128x64xf32, #tpu.memory_space<vmem>>)
    %mul3A_115 = arith.constant 1024 : i32
    %mul3A_116 = arith.muli %add3A, %mul3A_115 : i32
    %add3A_117 = arith.constant 128 : i32
    %add3A_118 = arith.addi %mul3A_116, %add3A_117 : i32
    %dma_start3A_119 = arith.constant 128 : i32
    %dma_start3A_120 = arith.constant 0 : i32
    %dma_start3A_121 = tpu.memref_slice %arg6[%dma_start3A_119, %dma_start3A_120] : memref<1024x64xf32, #tpu.memory_space<vmem>> -> memref<128x64xf32, #tpu.memory_space<vmem>>
    %dma_start3A_122 = arith.constant 0 : i32
    %dma_start3A_123 = tpu.memref_slice %arg4[%add3A_118, %dma_start3A_122] : memref<16384x64xf32, #tpu.memory_space<hbm>> -> memref<128x64xf32, #tpu.memory_space<hbm>>
    %dma_start3A_124 = arith.constant 0 : i32
    %dma_start3A_125 = tpu.memref_slice %arg4[%add3A_118, %dma_start3A_124] : memref<16384x64xf32, #tpu.memory_space<hbm>> -> memref<128x64xf32, #tpu.memory_space<hbm>>
    %dma_start3A_126 = arith.constant 128 : i32
    %dma_start3A_127 = arith.constant 0 : i32
    %dma_start3A_128 = tpu.memref_slice %arg6[%dma_start3A_126, %dma_start3A_127] : memref<1024x64xf32, #tpu.memory_space<vmem>> -> memref<128x64xf32, #tpu.memory_space<vmem>>
    tpu.enqueue_dma source(%dma_start3A_128 : memref<128x64xf32, #tpu.memory_space<vmem>>) target(%dma_start3A_125 : memref<128x64xf32, #tpu.memory_space<hbm>>) target_semaphore(%arg8 : memref<!tpu.dma_semaphore, #tpu.memory_space<semaphore_mem>>)
    %dma_wait3A_129 = arith.constant 2 : i32
    %dma_wait3A_130 = arith.constant 256 : i32
    %dma_wait3A_131 = arith.constant 0 : i32
    %dma_wait3A_132 = tpu.memref_slice %arg6[%dma_wait3A_130, %dma_wait3A_131] : memref<1024x64xf32, #tpu.memory_space<vmem>> -> memref<128x64xf32, #tpu.memory_space<vmem>>
    %dma_wait3A_133 = arith.constant 0 : i32
    %dma_wait3A_134 = tpu.memref_slice %arg5[%dma_wait3A_129, %dma_wait3A_133] : memref<8x128xi32, #tpu.memory_space<vmem>> -> memref<1x128xi32, #tpu.memory_space<vmem>>
    %dma_wait3A_135 = tpu.memref_squeeze %dma_wait3A_134 : memref<1x128xi32, #tpu.memory_space<vmem>> -> memref<128xi32, #tpu.memory_space<vmem>>
    %dma_wait3A_136 = arith.constant 0 : i32
    %dma_wait3A_137 = arith.constant 0 : i32
    %dma_wait3A_138 = tpu.memref_slice %arg2[%dma_wait3A_136, %dma_wait3A_137] : memref<1024x64xf32, #tpu.memory_space<hbm>> -> memref<1024x64xf32, #tpu.memory_space<hbm>>
    tpu.wait_indirect_dma semaphore(%arg7 : memref<!tpu.dma_semaphore, #tpu.memory_space<semaphore_mem>>) src(%dma_wait3A_138 : memref<1024x64xf32, #tpu.memory_space<hbm>>) dst(%dma_wait3A_132 : memref<128x64xf32, #tpu.memory_space<vmem>>)
    %mul3A_139 = arith.constant 1024 : i32
    %mul3A_140 = arith.muli %add3A, %mul3A_139 : i32
    %add3A_141 = arith.constant 256 : i32
    %add3A_142 = arith.addi %mul3A_140, %add3A_141 : i32
    %dma_start3A_143 = arith.constant 256 : i32
    %dma_start3A_144 = arith.constant 0 : i32
    %dma_start3A_145 = tpu.memref_slice %arg6[%dma_start3A_143, %dma_start3A_144] : memref<1024x64xf32, #tpu.memory_space<vmem>> -> memref<128x64xf32, #tpu.memory_space<vmem>>
    %dma_start3A_146 = arith.constant 0 : i32
    %dma_start3A_147 = tpu.memref_slice %arg4[%add3A_142, %dma_start3A_146] : memref<16384x64xf32, #tpu.memory_space<hbm>> -> memref<128x64xf32, #tpu.memory_space<hbm>>
    %dma_start3A_148 = arith.constant 0 : i32
    %dma_start3A_149 = tpu.memref_slice %arg4[%add3A_142, %dma_start3A_148] : memref<16384x64xf32, #tpu.memory_space<hbm>> -> memref<128x64xf32, #tpu.memory_space<hbm>>
    %dma_start3A_150 = arith.constant 256 : i32
    %dma_start3A_151 = arith.constant 0 : i32
    %dma_start3A_152 = tpu.memref_slice %arg6[%dma_start3A_150, %dma_start3A_151] : memref<1024x64xf32, #tpu.memory_space<vmem>> -> memref<128x64xf32, #tpu.memory_space<vmem>>
    tpu.enqueue_dma source(%dma_start3A_152 : memref<128x64xf32, #tpu.memory_space<vmem>>) target(%dma_start3A_149 : memref<128x64xf32, #tpu.memory_space<hbm>>) target_semaphore(%arg8 : memref<!tpu.dma_semaphore, #tpu.memory_space<semaphore_mem>>)
    %dma_wait3A_153 = arith.constant 3 : i32
    %dma_wait3A_154 = arith.constant 384 : i32
    %dma_wait3A_155 = arith.constant 0 : i32
    %dma_wait3A_156 = tpu.memref_slice %arg6[%dma_wait3A_154, %dma_wait3A_155] : memref<1024x64xf32, #tpu.memory_space<vmem>> -> memref<128x64xf32, #tpu.memory_space<vmem>>
    %dma_wait3A_157 = arith.constant 0 : i32
    %dma_wait3A_158 = tpu.memref_slice %arg5[%dma_wait3A_153, %dma_wait3A_157] : memref<8x128xi32, #tpu.memory_space<vmem>> -> memref<1x128xi32, #tpu.memory_space<vmem>>
    %dma_wait3A_159 = tpu.memref_squeeze %dma_wait3A_158 : memref<1x128xi32, #tpu.memory_space<vmem>> -> memref<128xi32, #tpu.memory_space<vmem>>
    %dma_wait3A_160 = arith.constant 0 : i32
    %dma_wait3A_161 = arith.constant 0 : i32
    %dma_wait3A_162 = tpu.memref_slice %arg2[%dma_wait3A_160, %dma_wait3A_161] : memref<1024x64xf32, #tpu.memory_space<hbm>> -> memref<1024x64xf32, #tpu.memory_space<hbm>>
    tpu.wait_indirect_dma semaphore(%arg7 : memref<!tpu.dma_semaphore, #tpu.memory_space<semaphore_mem>>) src(%dma_wait3A_162 : memref<1024x64xf32, #tpu.memory_space<hbm>>) dst(%dma_wait3A_156 : memref<128x64xf32, #tpu.memory_space<vmem>>)
    %mul3A_163 = arith.constant 1024 : i32
    %mul3A_164 = arith.muli %add3A, %mul3A_163 : i32
    %add3A_165 = arith.constant 384 : i32
    %add3A_166 = arith.addi %mul3A_164, %add3A_165 : i32
    %dma_start3A_167 = arith.constant 384 : i32
    %dma_start3A_168 = arith.constant 0 : i32
    %dma_start3A_169 = tpu.memref_slice %arg6[%dma_start3A_167, %dma_start3A_168] : memref<1024x64xf32, #tpu.memory_space<vmem>> -> memref<128x64xf32, #tpu.memory_space<vmem>>
    %dma_start3A_170 = arith.constant 0 : i32
    %dma_start3A_171 = tpu.memref_slice %arg4[%add3A_166, %dma_start3A_170] : memref<16384x64xf32, #tpu.memory_space<hbm>> -> memref<128x64xf32, #tpu.memory_space<hbm>>
    %dma_start3A_172 = arith.constant 0 : i32
    %dma_start3A_173 = tpu.memref_slice %arg4[%add3A_166, %dma_start3A_172] : memref<16384x64xf32, #tpu.memory_space<hbm>> -> memref<128x64xf32, #tpu.memory_space<hbm>>
    %dma_start3A_174 = arith.constant 384 : i32
    %dma_start3A_175 = arith.constant 0 : i32
    %dma_start3A_176 = tpu.memref_slice %arg6[%dma_start3A_174, %dma_start3A_175] : memref<1024x64xf32, #tpu.memory_space<vmem>> -> memref<128x64xf32, #tpu.memory_space<vmem>>
    tpu.enqueue_dma source(%dma_start3A_176 : memref<128x64xf32, #tpu.memory_space<vmem>>) target(%dma_start3A_173 : memref<128x64xf32, #tpu.memory_space<hbm>>) target_semaphore(%arg8 : memref<!tpu.dma_semaphore, #tpu.memory_space<semaphore_mem>>)
    %dma_wait3A_177 = arith.constant 4 : i32
    %dma_wait3A_178 = arith.constant 512 : i32
    %dma_wait3A_179 = arith.constant 0 : i32
    %dma_wait3A_180 = tpu.memref_slice %arg6[%dma_wait3A_178, %dma_wait3A_179] : memref<1024x64xf32, #tpu.memory_space<vmem>> -> memref<128x64xf32, #tpu.memory_space<vmem>>
    %dma_wait3A_181 = arith.constant 0 : i32
    %dma_wait3A_182 = tpu.memref_slice %arg5[%dma_wait3A_177, %dma_wait3A_181] : memref<8x128xi32, #tpu.memory_space<vmem>> -> memref<1x128xi32, #tpu.memory_space<vmem>>
    %dma_wait3A_183 = tpu.memref_squeeze %dma_wait3A_182 : memref<1x128xi32, #tpu.memory_space<vmem>> -> memref<128xi32, #tpu.memory_space<vmem>>
    %dma_wait3A_184 = arith.constant 0 : i32
    %dma_wait3A_185 = arith.constant 0 : i32
    %dma_wait3A_186 = tpu.memref_slice %arg2[%dma_wait3A_184, %dma_wait3A_185] : memref<1024x64xf32, #tpu.memory_space<hbm>> -> memref<1024x64xf32, #tpu.memory_space<hbm>>
    tpu.wait_indirect_dma semaphore(%arg7 : memref<!tpu.dma_semaphore, #tpu.memory_space<semaphore_mem>>) src(%dma_wait3A_186 : memref<1024x64xf32, #tpu.memory_space<hbm>>) dst(%dma_wait3A_180 : memref<128x64xf32, #tpu.memory_space<vmem>>)
    %mul3A_187 = arith.constant 1024 : i32
    %mul3A_188 = arith.muli %add3A, %mul3A_187 : i32
    %add3A_189 = arith.constant 512 : i32
    %add3A_190 = arith.addi %mul3A_188, %add3A_189 : i32
    %dma_start3A_191 = arith.constant 512 : i32
    %dma_start3A_192 = arith.constant 0 : i32
    %dma_start3A_193 = tpu.memref_slice %arg6[%dma_start3A_191, %dma_start3A_192] : memref<1024x64xf32, #tpu.memory_space<vmem>> -> memref<128x64xf32, #tpu.memory_space<vmem>>
    %dma_start3A_194 = arith.constant 0 : i32
    %dma_start3A_195 = tpu.memref_slice %arg4[%add3A_190, %dma_start3A_194] : memref<16384x64xf32, #tpu.memory_space<hbm>> -> memref<128x64xf32, #tpu.memory_space<hbm>>
    %dma_start3A_196 = arith.constant 0 : i32
    %dma_start3A_197 = tpu.memref_slice %arg4[%add3A_190, %dma_start3A_196] : memref<16384x64xf32, #tpu.memory_space<hbm>> -> memref<128x64xf32, #tpu.memory_space<hbm>>
    %dma_start3A_198 = arith.constant 512 : i32
    %dma_start3A_199 = arith.constant 0 : i32
    %dma_start3A_200 = tpu.memref_slice %arg6[%dma_start3A_198, %dma_start3A_199] : memref<1024x64xf32, #tpu.memory_space<vmem>> -> memref<128x64xf32, #tpu.memory_space<vmem>>
    tpu.enqueue_dma source(%dma_start3A_200 : memref<128x64xf32, #tpu.memory_space<vmem>>) target(%dma_start3A_197 : memref<128x64xf32, #tpu.memory_space<hbm>>) target_semaphore(%arg8 : memref<!tpu.dma_semaphore, #tpu.memory_space<semaphore_mem>>)
    %dma_wait3A_201 = arith.constant 5 : i32
    %dma_wait3A_202 = arith.constant 640 : i32
    %dma_wait3A_203 = arith.constant 0 : i32
    %dma_wait3A_204 = tpu.memref_slice %arg6[%dma_wait3A_202, %dma_wait3A_203] : memref<1024x64xf32, #tpu.memory_space<vmem>> -> memref<128x64xf32, #tpu.memory_space<vmem>>
    %dma_wait3A_205 = arith.constant 0 : i32
    %dma_wait3A_206 = tpu.memref_slice %arg5[%dma_wait3A_201, %dma_wait3A_205] : memref<8x128xi32, #tpu.memory_space<vmem>> -> memref<1x128xi32, #tpu.memory_space<vmem>>
    %dma_wait3A_207 = tpu.memref_squeeze %dma_wait3A_206 : memref<1x128xi32, #tpu.memory_space<vmem>> -> memref<128xi32, #tpu.memory_space<vmem>>
    %dma_wait3A_208 = arith.constant 0 : i32
    %dma_wait3A_209 = arith.constant 0 : i32
    %dma_wait3A_210 = tpu.memref_slice %arg2[%dma_wait3A_208, %dma_wait3A_209] : memref<1024x64xf32, #tpu.memory_space<hbm>> -> memref<1024x64xf32, #tpu.memory_space<hbm>>
    tpu.wait_indirect_dma semaphore(%arg7 : memref<!tpu.dma_semaphore, #tpu.memory_space<semaphore_mem>>) src(%dma_wait3A_210 : memref<1024x64xf32, #tpu.memory_space<hbm>>) dst(%dma_wait3A_204 : memref<128x64xf32, #tpu.memory_space<vmem>>)
    %mul3A_211 = arith.constant 1024 : i32
    %mul3A_212 = arith.muli %add3A, %mul3A_211 : i32
    %add3A_213 = arith.constant 640 : i32
    %add3A_214 = arith.addi %mul3A_212, %add3A_213 : i32
    %dma_start3A_215 = arith.constant 640 : i32
    %dma_start3A_216 = arith.constant 0 : i32
    %dma_start3A_217 = tpu.memref_slice %arg6[%dma_start3A_215, %dma_start3A_216] : memref<1024x64xf32, #tpu.memory_space<vmem>> -> memref<128x64xf32, #tpu.memory_space<vmem>>
    %dma_start3A_218 = arith.constant 0 : i32
    %dma_start3A_219 = tpu.memref_slice %arg4[%add3A_214, %dma_start3A_218] : memref<16384x64xf32, #tpu.memory_space<hbm>> -> memref<128x64xf32, #tpu.memory_space<hbm>>
    %dma_start3A_220 = arith.constant 0 : i32
    %dma_start3A_221 = tpu.memref_slice %arg4[%add3A_214, %dma_start3A_220] : memref<16384x64xf32, #tpu.memory_space<hbm>> -> memref<128x64xf32, #tpu.memory_space<hbm>>
    %dma_start3A_222 = arith.constant 640 : i32
    %dma_start3A_223 = arith.constant 0 : i32
    %dma_start3A_224 = tpu.memref_slice %arg6[%dma_start3A_222, %dma_start3A_223] : memref<1024x64xf32, #tpu.memory_space<vmem>> -> memref<128x64xf32, #tpu.memory_space<vmem>>
    tpu.enqueue_dma source(%dma_start3A_224 : memref<128x64xf32, #tpu.memory_space<vmem>>) target(%dma_start3A_221 : memref<128x64xf32, #tpu.memory_space<hbm>>) target_semaphore(%arg8 : memref<!tpu.dma_semaphore, #tpu.memory_space<semaphore_mem>>)
    %dma_wait3A_225 = arith.constant 6 : i32
    %dma_wait3A_226 = arith.constant 768 : i32
    %dma_wait3A_227 = arith.constant 0 : i32
    %dma_wait3A_228 = tpu.memref_slice %arg6[%dma_wait3A_226, %dma_wait3A_227] : memref<1024x64xf32, #tpu.memory_space<vmem>> -> memref<128x64xf32, #tpu.memory_space<vmem>>
    %dma_wait3A_229 = arith.constant 0 : i32
    %dma_wait3A_230 = tpu.memref_slice %arg5[%dma_wait3A_225, %dma_wait3A_229] : memref<8x128xi32, #tpu.memory_space<vmem>> -> memref<1x128xi32, #tpu.memory_space<vmem>>
    %dma_wait3A_231 = tpu.memref_squeeze %dma_wait3A_230 : memref<1x128xi32, #tpu.memory_space<vmem>> -> memref<128xi32, #tpu.memory_space<vmem>>
    %dma_wait3A_232 = arith.constant 0 : i32
    %dma_wait3A_233 = arith.constant 0 : i32
    %dma_wait3A_234 = tpu.memref_slice %arg2[%dma_wait3A_232, %dma_wait3A_233] : memref<1024x64xf32, #tpu.memory_space<hbm>> -> memref<1024x64xf32, #tpu.memory_space<hbm>>
    tpu.wait_indirect_dma semaphore(%arg7 : memref<!tpu.dma_semaphore, #tpu.memory_space<semaphore_mem>>) src(%dma_wait3A_234 : memref<1024x64xf32, #tpu.memory_space<hbm>>) dst(%dma_wait3A_228 : memref<128x64xf32, #tpu.memory_space<vmem>>)
    %mul3A_235 = arith.constant 1024 : i32
    %mul3A_236 = arith.muli %add3A, %mul3A_235 : i32
    %add3A_237 = arith.constant 768 : i32
    %add3A_238 = arith.addi %mul3A_236, %add3A_237 : i32
    %dma_start3A_239 = arith.constant 768 : i32
    %dma_start3A_240 = arith.constant 0 : i32
    %dma_start3A_241 = tpu.memref_slice %arg6[%dma_start3A_239, %dma_start3A_240] : memref<1024x64xf32, #tpu.memory_space<vmem>> -> memref<128x64xf32, #tpu.memory_space<vmem>>
    %dma_start3A_242 = arith.constant 0 : i32
    %dma_start3A_243 = tpu.memref_slice %arg4[%add3A_238, %dma_start3A_242] : memref<16384x64xf32, #tpu.memory_space<hbm>> -> memref<128x64xf32, #tpu.memory_space<hbm>>
    %dma_start3A_244 = arith.constant 0 : i32
    %dma_start3A_245 = tpu.memref_slice %arg4[%add3A_238, %dma_start3A_244] : memref<16384x64xf32, #tpu.memory_space<hbm>> -> memref<128x64xf32, #tpu.memory_space<hbm>>
    %dma_start3A_246 = arith.constant 768 : i32
    %dma_start3A_247 = arith.constant 0 : i32
    %dma_start3A_248 = tpu.memref_slice %arg6[%dma_start3A_246, %dma_start3A_247] : memref<1024x64xf32, #tpu.memory_space<vmem>> -> memref<128x64xf32, #tpu.memory_space<vmem>>
    tpu.enqueue_dma source(%dma_start3A_248 : memref<128x64xf32, #tpu.memory_space<vmem>>) target(%dma_start3A_245 : memref<128x64xf32, #tpu.memory_space<hbm>>) target_semaphore(%arg8 : memref<!tpu.dma_semaphore, #tpu.memory_space<semaphore_mem>>)
    %dma_wait3A_249 = arith.constant 7 : i32
    %dma_wait3A_250 = arith.constant 896 : i32
    %dma_wait3A_251 = arith.constant 0 : i32
    %dma_wait3A_252 = tpu.memref_slice %arg6[%dma_wait3A_250, %dma_wait3A_251] : memref<1024x64xf32, #tpu.memory_space<vmem>> -> memref<128x64xf32, #tpu.memory_space<vmem>>
    %dma_wait3A_253 = arith.constant 0 : i32
    %dma_wait3A_254 = tpu.memref_slice %arg5[%dma_wait3A_249, %dma_wait3A_253] : memref<8x128xi32, #tpu.memory_space<vmem>> -> memref<1x128xi32, #tpu.memory_space<vmem>>
    %dma_wait3A_255 = tpu.memref_squeeze %dma_wait3A_254 : memref<1x128xi32, #tpu.memory_space<vmem>> -> memref<128xi32, #tpu.memory_space<vmem>>
    %dma_wait3A_256 = arith.constant 0 : i32
    %dma_wait3A_257 = arith.constant 0 : i32
    %dma_wait3A_258 = tpu.memref_slice %arg2[%dma_wait3A_256, %dma_wait3A_257] : memref<1024x64xf32, #tpu.memory_space<hbm>> -> memref<1024x64xf32, #tpu.memory_space<hbm>>
    tpu.wait_indirect_dma semaphore(%arg7 : memref<!tpu.dma_semaphore, #tpu.memory_space<semaphore_mem>>) src(%dma_wait3A_258 : memref<1024x64xf32, #tpu.memory_space<hbm>>) dst(%dma_wait3A_252 : memref<128x64xf32, #tpu.memory_space<vmem>>)
    %mul3A_259 = arith.constant 1024 : i32
    %mul3A_260 = arith.muli %add3A, %mul3A_259 : i32
    %add3A_261 = arith.constant 896 : i32
    %add3A_262 = arith.addi %mul3A_260, %add3A_261 : i32
    %dma_start3A_263 = arith.constant 896 : i32
    %dma_start3A_264 = arith.constant 0 : i32
    %dma_start3A_265 = tpu.memref_slice %arg6[%dma_start3A_263, %dma_start3A_264] : memref<1024x64xf32, #tpu.memory_space<vmem>> -> memref<128x64xf32, #tpu.memory_space<vmem>>
    %dma_start3A_266 = arith.constant 0 : i32
    %dma_start3A_267 = tpu.memref_slice %arg4[%add3A_262, %dma_start3A_266] : memref<16384x64xf32, #tpu.memory_space<hbm>> -> memref<128x64xf32, #tpu.memory_space<hbm>>
    %dma_start3A_268 = arith.constant 0 : i32
    %dma_start3A_269 = tpu.memref_slice %arg4[%add3A_262, %dma_start3A_268] : memref<16384x64xf32, #tpu.memory_space<hbm>> -> memref<128x64xf32, #tpu.memory_space<hbm>>
    %dma_start3A_270 = arith.constant 896 : i32
    %dma_start3A_271 = arith.constant 0 : i32
    %dma_start3A_272 = tpu.memref_slice %arg6[%dma_start3A_270, %dma_start3A_271] : memref<1024x64xf32, #tpu.memory_space<vmem>> -> memref<128x64xf32, #tpu.memory_space<vmem>>
    tpu.enqueue_dma source(%dma_start3A_272 : memref<128x64xf32, #tpu.memory_space<vmem>>) target(%dma_start3A_269 : memref<128x64xf32, #tpu.memory_space<hbm>>) target_semaphore(%arg8 : memref<!tpu.dma_semaphore, #tpu.memory_space<semaphore_mem>>)
    %dma_wait3A_273 = arith.constant 0 : i32
    %dma_wait3A_274 = arith.constant 0 : i32
    %dma_wait3A_275 = tpu.memref_slice %arg6[%dma_wait3A_273, %dma_wait3A_274] : memref<1024x64xf32, #tpu.memory_space<vmem>> -> memref<128x64xf32, #tpu.memory_space<vmem>>
    %dma_wait3A_276 = arith.constant 0 : i32
    %dma_wait3A_277 = tpu.memref_slice %arg4[%add3A_94, %dma_wait3A_276] : memref<16384x64xf32, #tpu.memory_space<hbm>> -> memref<128x64xf32, #tpu.memory_space<hbm>>
    %dma_wait3A_278 = arith.constant 0 : i32
    %dma_wait3A_279 = tpu.memref_slice %arg4[%add3A_94, %dma_wait3A_278] : memref<16384x64xf32, #tpu.memory_space<hbm>> -> memref<128x64xf32, #tpu.memory_space<hbm>>
    %dma_wait3A_280 = arith.constant 0 : i32
    %dma_wait3A_281 = arith.constant 0 : i32
    %dma_wait3A_282 = tpu.memref_slice %arg6[%dma_wait3A_280, %dma_wait3A_281] : memref<1024x64xf32, #tpu.memory_space<vmem>> -> memref<128x64xf32, #tpu.memory_space<vmem>>
    tpu.wait_dma2 semaphore(%arg8 : memref<!tpu.dma_semaphore, #tpu.memory_space<semaphore_mem>>) src(%dma_wait3A_282 : memref<128x64xf32, #tpu.memory_space<vmem>>) dst(%dma_wait3A_279 : memref<128x64xf32, #tpu.memory_space<hbm>>)
    %dma_wait3A_283 = arith.constant 128 : i32
    %dma_wait3A_284 = arith.constant 0 : i32
    %dma_wait3A_285 = tpu.memref_slice %arg6[%dma_wait3A_283, %dma_wait3A_284] : memref<1024x64xf32, #tpu.memory_space<vmem>> -> memref<128x64xf32, #tpu.memory_space<vmem>>
    %dma_wait3A_286 = arith.constant 0 : i32
    %dma_wait3A_287 = tpu.memref_slice %arg4[%add3A_118, %dma_wait3A_286] : memref<16384x64xf32, #tpu.memory_space<hbm>> -> memref<128x64xf32, #tpu.memory_space<hbm>>
    %dma_wait3A_288 = arith.constant 0 : i32
    %dma_wait3A_289 = tpu.memref_slice %arg4[%add3A_118, %dma_wait3A_288] : memref<16384x64xf32, #tpu.memory_space<hbm>> -> memref<128x64xf32, #tpu.memory_space<hbm>>
    %dma_wait3A_290 = arith.constant 128 : i32
    %dma_wait3A_291 = arith.constant 0 : i32
    %dma_wait3A_292 = tpu.memref_slice %arg6[%dma_wait3A_290, %dma_wait3A_291] : memref<1024x64xf32, #tpu.memory_space<vmem>> -> memref<128x64xf32, #tpu.memory_space<vmem>>
    tpu.wait_dma2 semaphore(%arg8 : memref<!tpu.dma_semaphore, #tpu.memory_space<semaphore_mem>>) src(%dma_wait3A_292 : memref<128x64xf32, #tpu.memory_space<vmem>>) dst(%dma_wait3A_289 : memref<128x64xf32, #tpu.memory_space<hbm>>)
    %dma_wait3A_293 = arith.constant 256 : i32
    %dma_wait3A_294 = arith.constant 0 : i32
    %dma_wait3A_295 = tpu.memref_slice %arg6[%dma_wait3A_293, %dma_wait3A_294] : memref<1024x64xf32, #tpu.memory_space<vmem>> -> memref<128x64xf32, #tpu.memory_space<vmem>>
    %dma_wait3A_296 = arith.constant 0 : i32
    %dma_wait3A_297 = tpu.memref_slice %arg4[%add3A_142, %dma_wait3A_296] : memref<16384x64xf32, #tpu.memory_space<hbm>> -> memref<128x64xf32, #tpu.memory_space<hbm>>
    %dma_wait3A_298 = arith.constant 0 : i32
    %dma_wait3A_299 = tpu.memref_slice %arg4[%add3A_142, %dma_wait3A_298] : memref<16384x64xf32, #tpu.memory_space<hbm>> -> memref<128x64xf32, #tpu.memory_space<hbm>>
    %dma_wait3A_300 = arith.constant 256 : i32
    %dma_wait3A_301 = arith.constant 0 : i32
    %dma_wait3A_302 = tpu.memref_slice %arg6[%dma_wait3A_300, %dma_wait3A_301] : memref<1024x64xf32, #tpu.memory_space<vmem>> -> memref<128x64xf32, #tpu.memory_space<vmem>>
    tpu.wait_dma2 semaphore(%arg8 : memref<!tpu.dma_semaphore, #tpu.memory_space<semaphore_mem>>) src(%dma_wait3A_302 : memref<128x64xf32, #tpu.memory_space<vmem>>) dst(%dma_wait3A_299 : memref<128x64xf32, #tpu.memory_space<hbm>>)
    %dma_wait3A_303 = arith.constant 384 : i32
    %dma_wait3A_304 = arith.constant 0 : i32
    %dma_wait3A_305 = tpu.memref_slice %arg6[%dma_wait3A_303, %dma_wait3A_304] : memref<1024x64xf32, #tpu.memory_space<vmem>> -> memref<128x64xf32, #tpu.memory_space<vmem>>
    %dma_wait3A_306 = arith.constant 0 : i32
    %dma_wait3A_307 = tpu.memref_slice %arg4[%add3A_166, %dma_wait3A_306] : memref<16384x64xf32, #tpu.memory_space<hbm>> -> memref<128x64xf32, #tpu.memory_space<hbm>>
    %dma_wait3A_308 = arith.constant 0 : i32
    %dma_wait3A_309 = tpu.memref_slice %arg4[%add3A_166, %dma_wait3A_308] : memref<16384x64xf32, #tpu.memory_space<hbm>> -> memref<128x64xf32, #tpu.memory_space<hbm>>
    %dma_wait3A_310 = arith.constant 384 : i32
    %dma_wait3A_311 = arith.constant 0 : i32
    %dma_wait3A_312 = tpu.memref_slice %arg6[%dma_wait3A_310, %dma_wait3A_311] : memref<1024x64xf32, #tpu.memory_space<vmem>> -> memref<128x64xf32, #tpu.memory_space<vmem>>
    tpu.wait_dma2 semaphore(%arg8 : memref<!tpu.dma_semaphore, #tpu.memory_space<semaphore_mem>>) src(%dma_wait3A_312 : memref<128x64xf32, #tpu.memory_space<vmem>>) dst(%dma_wait3A_309 : memref<128x64xf32, #tpu.memory_space<hbm>>)
    %dma_wait3A_313 = arith.constant 512 : i32
    %dma_wait3A_314 = arith.constant 0 : i32
    %dma_wait3A_315 = tpu.memref_slice %arg6[%dma_wait3A_313, %dma_wait3A_314] : memref<1024x64xf32, #tpu.memory_space<vmem>> -> memref<128x64xf32, #tpu.memory_space<vmem>>
    %dma_wait3A_316 = arith.constant 0 : i32
    %dma_wait3A_317 = tpu.memref_slice %arg4[%add3A_190, %dma_wait3A_316] : memref<16384x64xf32, #tpu.memory_space<hbm>> -> memref<128x64xf32, #tpu.memory_space<hbm>>
    %dma_wait3A_318 = arith.constant 0 : i32
    %dma_wait3A_319 = tpu.memref_slice %arg4[%add3A_190, %dma_wait3A_318] : memref<16384x64xf32, #tpu.memory_space<hbm>> -> memref<128x64xf32, #tpu.memory_space<hbm>>
    %dma_wait3A_320 = arith.constant 512 : i32
    %dma_wait3A_321 = arith.constant 0 : i32
    %dma_wait3A_322 = tpu.memref_slice %arg6[%dma_wait3A_320, %dma_wait3A_321] : memref<1024x64xf32, #tpu.memory_space<vmem>> -> memref<128x64xf32, #tpu.memory_space<vmem>>
    tpu.wait_dma2 semaphore(%arg8 : memref<!tpu.dma_semaphore, #tpu.memory_space<semaphore_mem>>) src(%dma_wait3A_322 : memref<128x64xf32, #tpu.memory_space<vmem>>) dst(%dma_wait3A_319 : memref<128x64xf32, #tpu.memory_space<hbm>>)
    %dma_wait3A_323 = arith.constant 640 : i32
    %dma_wait3A_324 = arith.constant 0 : i32
    %dma_wait3A_325 = tpu.memref_slice %arg6[%dma_wait3A_323, %dma_wait3A_324] : memref<1024x64xf32, #tpu.memory_space<vmem>> -> memref<128x64xf32, #tpu.memory_space<vmem>>
    %dma_wait3A_326 = arith.constant 0 : i32
    %dma_wait3A_327 = tpu.memref_slice %arg4[%add3A_214, %dma_wait3A_326] : memref<16384x64xf32, #tpu.memory_space<hbm>> -> memref<128x64xf32, #tpu.memory_space<hbm>>
    %dma_wait3A_328 = arith.constant 0 : i32
    %dma_wait3A_329 = tpu.memref_slice %arg4[%add3A_214, %dma_wait3A_328] : memref<16384x64xf32, #tpu.memory_space<hbm>> -> memref<128x64xf32, #tpu.memory_space<hbm>>
    %dma_wait3A_330 = arith.constant 640 : i32
    %dma_wait3A_331 = arith.constant 0 : i32
    %dma_wait3A_332 = tpu.memref_slice %arg6[%dma_wait3A_330, %dma_wait3A_331] : memref<1024x64xf32, #tpu.memory_space<vmem>> -> memref<128x64xf32, #tpu.memory_space<vmem>>
    tpu.wait_dma2 semaphore(%arg8 : memref<!tpu.dma_semaphore, #tpu.memory_space<semaphore_mem>>) src(%dma_wait3A_332 : memref<128x64xf32, #tpu.memory_space<vmem>>) dst(%dma_wait3A_329 : memref<128x64xf32, #tpu.memory_space<hbm>>)
    %dma_wait3A_333 = arith.constant 768 : i32
    %dma_wait3A_334 = arith.constant 0 : i32
    %dma_wait3A_335 = tpu.memref_slice %arg6[%dma_wait3A_333, %dma_wait3A_334] : memref<1024x64xf32, #tpu.memory_space<vmem>> -> memref<128x64xf32, #tpu.memory_space<vmem>>
    %dma_wait3A_336 = arith.constant 0 : i32
    %dma_wait3A_337 = tpu.memref_slice %arg4[%add3A_238, %dma_wait3A_336] : memref<16384x64xf32, #tpu.memory_space<hbm>> -> memref<128x64xf32, #tpu.memory_space<hbm>>
    %dma_wait3A_338 = arith.constant 0 : i32
    %dma_wait3A_339 = tpu.memref_slice %arg4[%add3A_238, %dma_wait3A_338] : memref<16384x64xf32, #tpu.memory_space<hbm>> -> memref<128x64xf32, #tpu.memory_space<hbm>>
    %dma_wait3A_340 = arith.constant 768 : i32
    %dma_wait3A_341 = arith.constant 0 : i32
    %dma_wait3A_342 = tpu.memref_slice %arg6[%dma_wait3A_340, %dma_wait3A_341] : memref<1024x64xf32, #tpu.memory_space<vmem>> -> memref<128x64xf32, #tpu.memory_space<vmem>>
    tpu.wait_dma2 semaphore(%arg8 : memref<!tpu.dma_semaphore, #tpu.memory_space<semaphore_mem>>) src(%dma_wait3A_342 : memref<128x64xf32, #tpu.memory_space<vmem>>) dst(%dma_wait3A_339 : memref<128x64xf32, #tpu.memory_space<hbm>>)
    %dma_wait3A_343 = arith.constant 896 : i32
    %dma_wait3A_344 = arith.constant 0 : i32
    %dma_wait3A_345 = tpu.memref_slice %arg6[%dma_wait3A_343, %dma_wait3A_344] : memref<1024x64xf32, #tpu.memory_space<vmem>> -> memref<128x64xf32, #tpu.memory_space<vmem>>
    %dma_wait3A_346 = arith.constant 0 : i32
    %dma_wait3A_347 = tpu.memref_slice %arg4[%add3A_262, %dma_wait3A_346] : memref<16384x64xf32, #tpu.memory_space<hbm>> -> memref<128x64xf32, #tpu.memory_space<hbm>>
    %dma_wait3A_348 = arith.constant 0 : i32
    %dma_wait3A_349 = tpu.memref_slice %arg4[%add3A_262, %dma_wait3A_348] : memref<16384x64xf32, #tpu.memory_space<hbm>> -> memref<128x64xf32, #tpu.memory_space<hbm>>
    %dma_wait3A_350 = arith.constant 896 : i32
    %dma_wait3A_351 = arith.constant 0 : i32
    %dma_wait3A_352 = tpu.memref_slice %arg6[%dma_wait3A_350, %dma_wait3A_351] : memref<1024x64xf32, #tpu.memory_space<vmem>> -> memref<128x64xf32, #tpu.memory_space<vmem>>
    tpu.wait_dma2 semaphore(%arg8 : memref<!tpu.dma_semaphore, #tpu.memory_space<semaphore_mem>>) src(%dma_wait3A_352 : memref<128x64xf32, #tpu.memory_space<vmem>>) dst(%dma_wait3A_349 : memref<128x64xf32, #tpu.memory_space<hbm>>)
    return
  }
}

module attributes {stable_mosaic.version = 14 : i64} {
  func.func @_distargmin_body(%arg0: i32, %arg1: memref<2048x64xf32, #tpu.memory_space<vmem>>, %arg2: memref<64x1024xf32, #tpu.memory_space<vmem>>, %arg3: memref<1x1x2048xi32, #tpu.memory_space<vmem>>, %arg4: memref<1x1xf32, #tpu.memory_space<smem>>, %arg5: memref<1024x64xf32, #tpu.memory_space<vmem>>, %arg6: memref<1024x2048xf32, #tpu.memory_space<vmem>>, %arg7: memref<1024x64xf32, #tpu.memory_space<vmem>>) attributes {dimension_semantics = [#tpu.dimension_semantics<arbitrary>], iteration_bounds = array<i64: 8>, scalar_prefetch = 0 : i64, scratch_operands = 2 : i64, tpu.core_type = #tpu.core_type<tc>, window_params = [{transform_indices = @transform_0, window_bounds = array<i64: 2048, 64>}, {pipeline_mode = #tpu.pipeline_mode<synchronous>, transform_indices = @transform_1, window_bounds = array<i64: 64, 1024>}, {transform_indices = @transform_2, window_bounds = array<i64: 1, 1, 2048>}, {transform_indices = @transform_3, window_bounds = array<i64: 1, 1>}, {pipeline_mode = #tpu.pipeline_mode<synchronous>, transform_indices = @transform_4, window_bounds = array<i64: 1024, 64>}]} {
    %get3A = arith.constant 0 : index
    %get3A_0 = arith.constant 0 : index
    %get3A_1 = vector.load %arg1[%get3A, %get3A_0] : memref<2048x64xf32, #tpu.memory_space<vmem>>, vector<2048x64xf32>
    %get3A_2 = arith.constant 0 : index
    %get3A_3 = arith.constant 0 : index
    %get3A_4 = vector.load %arg2[%get3A_2, %get3A_3] : memref<64x1024xf32, #tpu.memory_space<vmem>>, vector<64x1024xf32>
    %eq3A = arith.constant 0 : i32
    %eq3A_5 = arith.cmpi eq, %arg0, %eq3A : i32
    %convert_element_type3A = arith.extui %eq3A_5 : i1 to i32
    %cond3A = arith.constant 0 : i32
    %cond3A_6 = arith.cmpi ne, %convert_element_type3A, %cond3A : i32
    scf.if %cond3A_6 {
      %swap3A_1490 = arith.constant 0.000000e+00 : f32
      %swap3A_1491 = arith.constant 0 : index
      %swap3A_1492 = arith.constant 0 : index
      %swap3A_1493 = memref.load %arg4[%swap3A_1491, %swap3A_1492] : memref<1x1xf32, #tpu.memory_space<smem>>
      memref.store %swap3A_1490, %arg4[%swap3A_1491, %swap3A_1492] : memref<1x1xf32, #tpu.memory_space<smem>>
      %transpose3A_1494 = tpu.transpose %get3A_4, [1, 0] : vector<64x1024xf32> -> vector<1024x64xf32>
      %swap3A_1495 = arith.constant 0 : index
      %swap3A_1496 = arith.constant 0 : index
      %swap3A_1497 = vector.load %arg5[%swap3A_1495, %swap3A_1496] : memref<1024x64xf32, #tpu.memory_space<vmem>>, vector<1024x64xf32>
      tpu.vector_store %arg5[%swap3A_1495, %swap3A_1496], %transpose3A_1494 {strides = array<i32>} : memref<1024x64xf32, #tpu.memory_space<vmem>>, vector<1024x64xf32>,
      %mul3A_1498 = arith.mulf %get3A_4, %get3A_4 : vector<64x1024xf32>
      %reduce_sum3A_1499 = arith.constant dense<0.000000e+00> : vector<1024xf32>
      %reduce_sum3A_1500 = vector.multi_reduction <add>, %mul3A_1498, %reduce_sum3A_1499 [0] : vector<64x1024xf32> to vector<1024xf32>
      %broadcast_in_dim3A_1501 = vector.shape_cast %reduce_sum3A_1500 : vector<1024xf32> to vector<1x1024xf32>
      %transpose3A_1502 = tpu.transpose %broadcast_in_dim3A_1501, [1, 0] : vector<1x1024xf32> -> vector<1024x1xf32>
      %broadcast_in_dim3A_1503 = vector.shape_cast %transpose3A_1502 : vector<1024x1xf32> to vector<1024x1xf32>
      %broadcast_in_dim3A_1504 = vector.broadcast %broadcast_in_dim3A_1503 : vector<1024x1xf32> to vector<1024x2048xf32>
      %swap3A_1505 = arith.constant 0 : index
      %swap3A_1506 = arith.constant 0 : index
      %swap3A_1507 = vector.load %arg6[%swap3A_1505, %swap3A_1506] : memref<1024x2048xf32, #tpu.memory_space<vmem>>, vector<1024x2048xf32>
      tpu.vector_store %arg6[%swap3A_1505, %swap3A_1506], %broadcast_in_dim3A_1504 {strides = array<i32>} : memref<1024x2048xf32, #tpu.memory_space<vmem>>, vector<1024x2048xf32>,
      %add3A_1508 = arith.addf %transpose3A_1494, %transpose3A_1494 : vector<1024x64xf32>
      %swap3A_1509 = arith.constant 0 : index
      %swap3A_1510 = arith.constant 0 : index
      %swap3A_1511 = vector.load %arg7[%swap3A_1509, %swap3A_1510] : memref<1024x64xf32, #tpu.memory_space<vmem>>, vector<1024x64xf32>
      tpu.vector_store %arg7[%swap3A_1509, %swap3A_1510], %add3A_1508 {strides = array<i32>} : memref<1024x64xf32, #tpu.memory_space<vmem>>, vector<1024x64xf32>,
    } else {
    }
    %mul3A = arith.mulf %get3A_1, %get3A_1 : vector<2048x64xf32>
    %reduce_sum3A = arith.constant dense<0.000000e+00> : vector<2048xf32>
    %reduce_sum3A_7 = vector.multi_reduction <add>, %mul3A, %reduce_sum3A [1] : vector<2048x64xf32> to vector<2048xf32>
    %broadcast_in_dim3A = vector.shape_cast %reduce_sum3A_7 : vector<2048xf32> to vector<2048x1xf32>
    %transpose3A = tpu.transpose %broadcast_in_dim3A, [1, 0] : vector<2048x1xf32> -> vector<1x2048xf32>
    %broadcast_in_dim3A_8 = vector.shape_cast %transpose3A : vector<1x2048xf32> to vector<1x2048xf32>
    %broadcast_in_dim3A_9 = vector.broadcast %broadcast_in_dim3A_8 : vector<1x2048xf32> to vector<8x2048xf32>
    %broadcast_in_dim3A_10 = arith.constant 0x7F800000 : f32
    %broadcast_in_dim3A_11 = vector.broadcast %broadcast_in_dim3A_10 : f32 to vector<8x2048xf32>
    %broadcast_in_dim3A_12 = arith.constant 0.000000e+00 : f32
    %broadcast_in_dim3A_13 = vector.broadcast %broadcast_in_dim3A_12 : f32 to vector<8x2048xf32>
    %get3A_14 = arith.constant 0 : index
    %get3A_15 = arith.constant 0 : index
    %get3A_16 = vector.load %arg7[%get3A_14, %get3A_15] : memref<1024x64xf32, #tpu.memory_space<vmem>>, vector<128x64xf32>
    %dot_general3A = arith.constant dense<0.000000e+00> : vector<128x2048xf32>
    %dot_general3A_17 = tpu.matmul %get3A_16, %get3A_1, %dot_general3A {dimension_numbers = #tpu.dot_dimension_numbers<[1], [1], [0], [0], [0, 0, 1, 0], [], []>, transpose_lhs_hint = false} : vector<128x64xf32>, vector<2048x64xf32>, vector<128x2048xf32> -> vector<128x2048xf32>
    %slice3A = vector.extract_strided_slice %dot_general3A_17 {offsets = [0, 0], sizes = [8, 2048], strides = [1, 1]} : vector<128x2048xf32> to vector<8x2048xf32>
    %get3A_18 = arith.constant 0 : index
    %get3A_19 = arith.constant 0 : index
    %get3A_20 = vector.load %arg6[%get3A_18, %get3A_19] : memref<1024x2048xf32, #tpu.memory_space<vmem>>, vector<8x2048xf32>
    %add3A = arith.addf %broadcast_in_dim3A_9, %get3A_20 : vector<8x2048xf32>
    %sub3A = arith.subf %add3A, %slice3A : vector<8x2048xf32>
    %lt3A = arith.cmpf olt, %sub3A, %broadcast_in_dim3A_11 : vector<8x2048xf32>
    %min3A = arith.minimumf %broadcast_in_dim3A_11, %sub3A : vector<8x2048xf32>
    %broadcast_in_dim3A_21 = arith.constant 0.000000e+00 : f32
    %broadcast_in_dim3A_22 = vector.broadcast %broadcast_in_dim3A_21 : f32 to vector<8x2048xf32>
    %select_n3A = arith.select %lt3A, %broadcast_in_dim3A_22, %broadcast_in_dim3A_13 : vector<8x2048xi1>, vector<8x2048xf32>
    %slice3A_23 = vector.extract_strided_slice %dot_general3A_17 {offsets = [8, 0], sizes = [8, 2048], strides = [1, 1]} : vector<128x2048xf32> to vector<8x2048xf32>
    %get3A_24 = arith.constant 8 : index
    %get3A_25 = arith.constant 0 : index
    %get3A_26 = vector.load %arg6[%get3A_24, %get3A_25] : memref<1024x2048xf32, #tpu.memory_space<vmem>>, vector<8x2048xf32>
    %add3A_27 = arith.addf %broadcast_in_dim3A_9, %get3A_26 : vector<8x2048xf32>
    %sub3A_28 = arith.subf %add3A_27, %slice3A_23 : vector<8x2048xf32>
    %lt3A_29 = arith.cmpf olt, %sub3A_28, %min3A : vector<8x2048xf32>
    %min3A_30 = arith.minimumf %min3A, %sub3A_28 : vector<8x2048xf32>
    %broadcast_in_dim3A_31 = arith.constant 1.000000e+00 : f32
    %broadcast_in_dim3A_32 = vector.broadcast %broadcast_in_dim3A_31 : f32 to vector<8x2048xf32>
    %select_n3A_33 = arith.select %lt3A_29, %broadcast_in_dim3A_32, %select_n3A : vector<8x2048xi1>, vector<8x2048xf32>
    %slice3A_34 = vector.extract_strided_slice %dot_general3A_17 {offsets = [16, 0], sizes = [8, 2048], strides = [1, 1]} : vector<128x2048xf32> to vector<8x2048xf32>
    %get3A_35 = arith.constant 16 : index
    %get3A_36 = arith.constant 0 : index
    %get3A_37 = vector.load %arg6[%get3A_35, %get3A_36] : memref<1024x2048xf32, #tpu.memory_space<vmem>>, vector<8x2048xf32>
    %add3A_38 = arith.addf %broadcast_in_dim3A_9, %get3A_37 : vector<8x2048xf32>
    %sub3A_39 = arith.subf %add3A_38, %slice3A_34 : vector<8x2048xf32>
    %lt3A_40 = arith.cmpf olt, %sub3A_39, %min3A_30 : vector<8x2048xf32>
    %min3A_41 = arith.minimumf %min3A_30, %sub3A_39 : vector<8x2048xf32>
    %broadcast_in_dim3A_42 = arith.constant 2.000000e+00 : f32
    %broadcast_in_dim3A_43 = vector.broadcast %broadcast_in_dim3A_42 : f32 to vector<8x2048xf32>
    %select_n3A_44 = arith.select %lt3A_40, %broadcast_in_dim3A_43, %select_n3A_33 : vector<8x2048xi1>, vector<8x2048xf32>
    %slice3A_45 = vector.extract_strided_slice %dot_general3A_17 {offsets = [24, 0], sizes = [8, 2048], strides = [1, 1]} : vector<128x2048xf32> to vector<8x2048xf32>
    %get3A_46 = arith.constant 24 : index
    %get3A_47 = arith.constant 0 : index
    %get3A_48 = vector.load %arg6[%get3A_46, %get3A_47] : memref<1024x2048xf32, #tpu.memory_space<vmem>>, vector<8x2048xf32>
    %add3A_49 = arith.addf %broadcast_in_dim3A_9, %get3A_48 : vector<8x2048xf32>
    %sub3A_50 = arith.subf %add3A_49, %slice3A_45 : vector<8x2048xf32>
    %lt3A_51 = arith.cmpf olt, %sub3A_50, %min3A_41 : vector<8x2048xf32>
    %min3A_52 = arith.minimumf %min3A_41, %sub3A_50 : vector<8x2048xf32>
    %broadcast_in_dim3A_53 = arith.constant 3.000000e+00 : f32
    %broadcast_in_dim3A_54 = vector.broadcast %broadcast_in_dim3A_53 : f32 to vector<8x2048xf32>
    %select_n3A_55 = arith.select %lt3A_51, %broadcast_in_dim3A_54, %select_n3A_44 : vector<8x2048xi1>, vector<8x2048xf32>
    %slice3A_56 = vector.extract_strided_slice %dot_general3A_17 {offsets = [32, 0], sizes = [8, 2048], strides = [1, 1]} : vector<128x2048xf32> to vector<8x2048xf32>
    %get3A_57 = arith.constant 32 : index
    %get3A_58 = arith.constant 0 : index
    %get3A_59 = vector.load %arg6[%get3A_57, %get3A_58] : memref<1024x2048xf32, #tpu.memory_space<vmem>>, vector<8x2048xf32>
    %add3A_60 = arith.addf %broadcast_in_dim3A_9, %get3A_59 : vector<8x2048xf32>
    %sub3A_61 = arith.subf %add3A_60, %slice3A_56 : vector<8x2048xf32>
    %lt3A_62 = arith.cmpf olt, %sub3A_61, %min3A_52 : vector<8x2048xf32>
    %min3A_63 = arith.minimumf %min3A_52, %sub3A_61 : vector<8x2048xf32>
    %broadcast_in_dim3A_64 = arith.constant 4.000000e+00 : f32
    %broadcast_in_dim3A_65 = vector.broadcast %broadcast_in_dim3A_64 : f32 to vector<8x2048xf32>
    %select_n3A_66 = arith.select %lt3A_62, %broadcast_in_dim3A_65, %select_n3A_55 : vector<8x2048xi1>, vector<8x2048xf32>
    %slice3A_67 = vector.extract_strided_slice %dot_general3A_17 {offsets = [40, 0], sizes = [8, 2048], strides = [1, 1]} : vector<128x2048xf32> to vector<8x2048xf32>
    %get3A_68 = arith.constant 40 : index
    %get3A_69 = arith.constant 0 : index
    %get3A_70 = vector.load %arg6[%get3A_68, %get3A_69] : memref<1024x2048xf32, #tpu.memory_space<vmem>>, vector<8x2048xf32>
    %add3A_71 = arith.addf %broadcast_in_dim3A_9, %get3A_70 : vector<8x2048xf32>
    %sub3A_72 = arith.subf %add3A_71, %slice3A_67 : vector<8x2048xf32>
    %lt3A_73 = arith.cmpf olt, %sub3A_72, %min3A_63 : vector<8x2048xf32>
    %min3A_74 = arith.minimumf %min3A_63, %sub3A_72 : vector<8x2048xf32>
    %broadcast_in_dim3A_75 = arith.constant 5.000000e+00 : f32
    %broadcast_in_dim3A_76 = vector.broadcast %broadcast_in_dim3A_75 : f32 to vector<8x2048xf32>
    %select_n3A_77 = arith.select %lt3A_73, %broadcast_in_dim3A_76, %select_n3A_66 : vector<8x2048xi1>, vector<8x2048xf32>
    %slice3A_78 = vector.extract_strided_slice %dot_general3A_17 {offsets = [48, 0], sizes = [8, 2048], strides = [1, 1]} : vector<128x2048xf32> to vector<8x2048xf32>
    %get3A_79 = arith.constant 48 : index
    %get3A_80 = arith.constant 0 : index
    %get3A_81 = vector.load %arg6[%get3A_79, %get3A_80] : memref<1024x2048xf32, #tpu.memory_space<vmem>>, vector<8x2048xf32>
    %add3A_82 = arith.addf %broadcast_in_dim3A_9, %get3A_81 : vector<8x2048xf32>
    %sub3A_83 = arith.subf %add3A_82, %slice3A_78 : vector<8x2048xf32>
    %lt3A_84 = arith.cmpf olt, %sub3A_83, %min3A_74 : vector<8x2048xf32>
    %min3A_85 = arith.minimumf %min3A_74, %sub3A_83 : vector<8x2048xf32>
    %broadcast_in_dim3A_86 = arith.constant 6.000000e+00 : f32
    %broadcast_in_dim3A_87 = vector.broadcast %broadcast_in_dim3A_86 : f32 to vector<8x2048xf32>
    %select_n3A_88 = arith.select %lt3A_84, %broadcast_in_dim3A_87, %select_n3A_77 : vector<8x2048xi1>, vector<8x2048xf32>
    %slice3A_89 = vector.extract_strided_slice %dot_general3A_17 {offsets = [56, 0], sizes = [8, 2048], strides = [1, 1]} : vector<128x2048xf32> to vector<8x2048xf32>
    %get3A_90 = arith.constant 56 : index
    %get3A_91 = arith.constant 0 : index
    %get3A_92 = vector.load %arg6[%get3A_90, %get3A_91] : memref<1024x2048xf32, #tpu.memory_space<vmem>>, vector<8x2048xf32>
    %add3A_93 = arith.addf %broadcast_in_dim3A_9, %get3A_92 : vector<8x2048xf32>
    %sub3A_94 = arith.subf %add3A_93, %slice3A_89 : vector<8x2048xf32>
    %lt3A_95 = arith.cmpf olt, %sub3A_94, %min3A_85 : vector<8x2048xf32>
    %min3A_96 = arith.minimumf %min3A_85, %sub3A_94 : vector<8x2048xf32>
    %broadcast_in_dim3A_97 = arith.constant 7.000000e+00 : f32
    %broadcast_in_dim3A_98 = vector.broadcast %broadcast_in_dim3A_97 : f32 to vector<8x2048xf32>
    %select_n3A_99 = arith.select %lt3A_95, %broadcast_in_dim3A_98, %select_n3A_88 : vector<8x2048xi1>, vector<8x2048xf32>
    %slice3A_100 = vector.extract_strided_slice %dot_general3A_17 {offsets = [64, 0], sizes = [8, 2048], strides = [1, 1]} : vector<128x2048xf32> to vector<8x2048xf32>
    %get3A_101 = arith.constant 64 : index
    %get3A_102 = arith.constant 0 : index
    %get3A_103 = vector.load %arg6[%get3A_101, %get3A_102] : memref<1024x2048xf32, #tpu.memory_space<vmem>>, vector<8x2048xf32>
    %add3A_104 = arith.addf %broadcast_in_dim3A_9, %get3A_103 : vector<8x2048xf32>
    %sub3A_105 = arith.subf %add3A_104, %slice3A_100 : vector<8x2048xf32>
    %lt3A_106 = arith.cmpf olt, %sub3A_105, %min3A_96 : vector<8x2048xf32>
    %min3A_107 = arith.minimumf %min3A_96, %sub3A_105 : vector<8x2048xf32>
    %broadcast_in_dim3A_108 = arith.constant 8.000000e+00 : f32
    %broadcast_in_dim3A_109 = vector.broadcast %broadcast_in_dim3A_108 : f32 to vector<8x2048xf32>
    %select_n3A_110 = arith.select %lt3A_106, %broadcast_in_dim3A_109, %select_n3A_99 : vector<8x2048xi1>, vector<8x2048xf32>
    %slice3A_111 = vector.extract_strided_slice %dot_general3A_17 {offsets = [72, 0], sizes = [8, 2048], strides = [1, 1]} : vector<128x2048xf32> to vector<8x2048xf32>
    %get3A_112 = arith.constant 72 : index
    %get3A_113 = arith.constant 0 : index
    %get3A_114 = vector.load %arg6[%get3A_112, %get3A_113] : memref<1024x2048xf32, #tpu.memory_space<vmem>>, vector<8x2048xf32>
    %add3A_115 = arith.addf %broadcast_in_dim3A_9, %get3A_114 : vector<8x2048xf32>
    %sub3A_116 = arith.subf %add3A_115, %slice3A_111 : vector<8x2048xf32>
    %lt3A_117 = arith.cmpf olt, %sub3A_116, %min3A_107 : vector<8x2048xf32>
    %min3A_118 = arith.minimumf %min3A_107, %sub3A_116 : vector<8x2048xf32>
    %broadcast_in_dim3A_119 = arith.constant 9.000000e+00 : f32
    %broadcast_in_dim3A_120 = vector.broadcast %broadcast_in_dim3A_119 : f32 to vector<8x2048xf32>
    %select_n3A_121 = arith.select %lt3A_117, %broadcast_in_dim3A_120, %select_n3A_110 : vector<8x2048xi1>, vector<8x2048xf32>
    %slice3A_122 = vector.extract_strided_slice %dot_general3A_17 {offsets = [80, 0], sizes = [8, 2048], strides = [1, 1]} : vector<128x2048xf32> to vector<8x2048xf32>
    %get3A_123 = arith.constant 80 : index
    %get3A_124 = arith.constant 0 : index
    %get3A_125 = vector.load %arg6[%get3A_123, %get3A_124] : memref<1024x2048xf32, #tpu.memory_space<vmem>>, vector<8x2048xf32>
    %add3A_126 = arith.addf %broadcast_in_dim3A_9, %get3A_125 : vector<8x2048xf32>
    %sub3A_127 = arith.subf %add3A_126, %slice3A_122 : vector<8x2048xf32>
    %lt3A_128 = arith.cmpf olt, %sub3A_127, %min3A_118 : vector<8x2048xf32>
    %min3A_129 = arith.minimumf %min3A_118, %sub3A_127 : vector<8x2048xf32>
    %broadcast_in_dim3A_130 = arith.constant 1.000000e+01 : f32
    %broadcast_in_dim3A_131 = vector.broadcast %broadcast_in_dim3A_130 : f32 to vector<8x2048xf32>
    %select_n3A_132 = arith.select %lt3A_128, %broadcast_in_dim3A_131, %select_n3A_121 : vector<8x2048xi1>, vector<8x2048xf32>
    %slice3A_133 = vector.extract_strided_slice %dot_general3A_17 {offsets = [88, 0], sizes = [8, 2048], strides = [1, 1]} : vector<128x2048xf32> to vector<8x2048xf32>
    %get3A_134 = arith.constant 88 : index
    %get3A_135 = arith.constant 0 : index
    %get3A_136 = vector.load %arg6[%get3A_134, %get3A_135] : memref<1024x2048xf32, #tpu.memory_space<vmem>>, vector<8x2048xf32>
    %add3A_137 = arith.addf %broadcast_in_dim3A_9, %get3A_136 : vector<8x2048xf32>
    %sub3A_138 = arith.subf %add3A_137, %slice3A_133 : vector<8x2048xf32>
    %lt3A_139 = arith.cmpf olt, %sub3A_138, %min3A_129 : vector<8x2048xf32>
    %min3A_140 = arith.minimumf %min3A_129, %sub3A_138 : vector<8x2048xf32>
    %broadcast_in_dim3A_141 = arith.constant 1.100000e+01 : f32
    %broadcast_in_dim3A_142 = vector.broadcast %broadcast_in_dim3A_141 : f32 to vector<8x2048xf32>
    %select_n3A_143 = arith.select %lt3A_139, %broadcast_in_dim3A_142, %select_n3A_132 : vector<8x2048xi1>, vector<8x2048xf32>
    %slice3A_144 = vector.extract_strided_slice %dot_general3A_17 {offsets = [96, 0], sizes = [8, 2048], strides = [1, 1]} : vector<128x2048xf32> to vector<8x2048xf32>
    %get3A_145 = arith.constant 96 : index
    %get3A_146 = arith.constant 0 : index
    %get3A_147 = vector.load %arg6[%get3A_145, %get3A_146] : memref<1024x2048xf32, #tpu.memory_space<vmem>>, vector<8x2048xf32>
    %add3A_148 = arith.addf %broadcast_in_dim3A_9, %get3A_147 : vector<8x2048xf32>
    %sub3A_149 = arith.subf %add3A_148, %slice3A_144 : vector<8x2048xf32>
    %lt3A_150 = arith.cmpf olt, %sub3A_149, %min3A_140 : vector<8x2048xf32>
    %min3A_151 = arith.minimumf %min3A_140, %sub3A_149 : vector<8x2048xf32>
    %broadcast_in_dim3A_152 = arith.constant 1.200000e+01 : f32
    %broadcast_in_dim3A_153 = vector.broadcast %broadcast_in_dim3A_152 : f32 to vector<8x2048xf32>
    %select_n3A_154 = arith.select %lt3A_150, %broadcast_in_dim3A_153, %select_n3A_143 : vector<8x2048xi1>, vector<8x2048xf32>
    %slice3A_155 = vector.extract_strided_slice %dot_general3A_17 {offsets = [104, 0], sizes = [8, 2048], strides = [1, 1]} : vector<128x2048xf32> to vector<8x2048xf32>
    %get3A_156 = arith.constant 104 : index
    %get3A_157 = arith.constant 0 : index
    %get3A_158 = vector.load %arg6[%get3A_156, %get3A_157] : memref<1024x2048xf32, #tpu.memory_space<vmem>>, vector<8x2048xf32>
    %add3A_159 = arith.addf %broadcast_in_dim3A_9, %get3A_158 : vector<8x2048xf32>
    %sub3A_160 = arith.subf %add3A_159, %slice3A_155 : vector<8x2048xf32>
    %lt3A_161 = arith.cmpf olt, %sub3A_160, %min3A_151 : vector<8x2048xf32>
    %min3A_162 = arith.minimumf %min3A_151, %sub3A_160 : vector<8x2048xf32>
    %broadcast_in_dim3A_163 = arith.constant 1.300000e+01 : f32
    %broadcast_in_dim3A_164 = vector.broadcast %broadcast_in_dim3A_163 : f32 to vector<8x2048xf32>
    %select_n3A_165 = arith.select %lt3A_161, %broadcast_in_dim3A_164, %select_n3A_154 : vector<8x2048xi1>, vector<8x2048xf32>
    %slice3A_166 = vector.extract_strided_slice %dot_general3A_17 {offsets = [112, 0], sizes = [8, 2048], strides = [1, 1]} : vector<128x2048xf32> to vector<8x2048xf32>
    %get3A_167 = arith.constant 112 : index
    %get3A_168 = arith.constant 0 : index
    %get3A_169 = vector.load %arg6[%get3A_167, %get3A_168] : memref<1024x2048xf32, #tpu.memory_space<vmem>>, vector<8x2048xf32>
    %add3A_170 = arith.addf %broadcast_in_dim3A_9, %get3A_169 : vector<8x2048xf32>
    %sub3A_171 = arith.subf %add3A_170, %slice3A_166 : vector<8x2048xf32>
    %lt3A_172 = arith.cmpf olt, %sub3A_171, %min3A_162 : vector<8x2048xf32>
    %min3A_173 = arith.minimumf %min3A_162, %sub3A_171 : vector<8x2048xf32>
    %broadcast_in_dim3A_174 = arith.constant 1.400000e+01 : f32
    %broadcast_in_dim3A_175 = vector.broadcast %broadcast_in_dim3A_174 : f32 to vector<8x2048xf32>
    %select_n3A_176 = arith.select %lt3A_172, %broadcast_in_dim3A_175, %select_n3A_165 : vector<8x2048xi1>, vector<8x2048xf32>
    %slice3A_177 = vector.extract_strided_slice %dot_general3A_17 {offsets = [120, 0], sizes = [8, 2048], strides = [1, 1]} : vector<128x2048xf32> to vector<8x2048xf32>
    %get3A_178 = arith.constant 120 : index
    %get3A_179 = arith.constant 0 : index
    %get3A_180 = vector.load %arg6[%get3A_178, %get3A_179] : memref<1024x2048xf32, #tpu.memory_space<vmem>>, vector<8x2048xf32>
    %add3A_181 = arith.addf %broadcast_in_dim3A_9, %get3A_180 : vector<8x2048xf32>
    %sub3A_182 = arith.subf %add3A_181, %slice3A_177 : vector<8x2048xf32>
    %lt3A_183 = arith.cmpf olt, %sub3A_182, %min3A_173 : vector<8x2048xf32>
    %min3A_184 = arith.minimumf %min3A_173, %sub3A_182 : vector<8x2048xf32>
    %broadcast_in_dim3A_185 = arith.constant 1.500000e+01 : f32
    %broadcast_in_dim3A_186 = vector.broadcast %broadcast_in_dim3A_185 : f32 to vector<8x2048xf32>
    %select_n3A_187 = arith.select %lt3A_183, %broadcast_in_dim3A_186, %select_n3A_176 : vector<8x2048xi1>, vector<8x2048xf32>
    %get3A_188 = arith.constant 128 : index
    %get3A_189 = arith.constant 0 : index
    %get3A_190 = vector.load %arg7[%get3A_188, %get3A_189] : memref<1024x64xf32, #tpu.memory_space<vmem>>, vector<128x64xf32>
    %dot_general3A_191 = arith.constant dense<0.000000e+00> : vector<128x2048xf32>
    %dot_general3A_192 = tpu.matmul %get3A_190, %get3A_1, %dot_general3A_191 {dimension_numbers = #tpu.dot_dimension_numbers<[1], [1], [0], [0], [0, 0, 1, 0], [], []>, transpose_lhs_hint = false} : vector<128x64xf32>, vector<2048x64xf32>, vector<128x2048xf32> -> vector<128x2048xf32>
    %slice3A_193 = vector.extract_strided_slice %dot_general3A_192 {offsets = [0, 0], sizes = [8, 2048], strides = [1, 1]} : vector<128x2048xf32> to vector<8x2048xf32>
    %get3A_194 = arith.constant 128 : index
    %get3A_195 = arith.constant 0 : index
    %get3A_196 = vector.load %arg6[%get3A_194, %get3A_195] : memref<1024x2048xf32, #tpu.memory_space<vmem>>, vector<8x2048xf32>
    %add3A_197 = arith.addf %broadcast_in_dim3A_9, %get3A_196 : vector<8x2048xf32>
    %sub3A_198 = arith.subf %add3A_197, %slice3A_193 : vector<8x2048xf32>
    %lt3A_199 = arith.cmpf olt, %sub3A_198, %min3A_184 : vector<8x2048xf32>
    %min3A_200 = arith.minimumf %min3A_184, %sub3A_198 : vector<8x2048xf32>
    %broadcast_in_dim3A_201 = arith.constant 1.600000e+01 : f32
    %broadcast_in_dim3A_202 = vector.broadcast %broadcast_in_dim3A_201 : f32 to vector<8x2048xf32>
    %select_n3A_203 = arith.select %lt3A_199, %broadcast_in_dim3A_202, %select_n3A_187 : vector<8x2048xi1>, vector<8x2048xf32>
    %slice3A_204 = vector.extract_strided_slice %dot_general3A_192 {offsets = [8, 0], sizes = [8, 2048], strides = [1, 1]} : vector<128x2048xf32> to vector<8x2048xf32>
    %get3A_205 = arith.constant 136 : index
    %get3A_206 = arith.constant 0 : index
    %get3A_207 = vector.load %arg6[%get3A_205, %get3A_206] : memref<1024x2048xf32, #tpu.memory_space<vmem>>, vector<8x2048xf32>
    %add3A_208 = arith.addf %broadcast_in_dim3A_9, %get3A_207 : vector<8x2048xf32>
    %sub3A_209 = arith.subf %add3A_208, %slice3A_204 : vector<8x2048xf32>
    %lt3A_210 = arith.cmpf olt, %sub3A_209, %min3A_200 : vector<8x2048xf32>
    %min3A_211 = arith.minimumf %min3A_200, %sub3A_209 : vector<8x2048xf32>
    %broadcast_in_dim3A_212 = arith.constant 1.700000e+01 : f32
    %broadcast_in_dim3A_213 = vector.broadcast %broadcast_in_dim3A_212 : f32 to vector<8x2048xf32>
    %select_n3A_214 = arith.select %lt3A_210, %broadcast_in_dim3A_213, %select_n3A_203 : vector<8x2048xi1>, vector<8x2048xf32>
    %slice3A_215 = vector.extract_strided_slice %dot_general3A_192 {offsets = [16, 0], sizes = [8, 2048], strides = [1, 1]} : vector<128x2048xf32> to vector<8x2048xf32>
    %get3A_216 = arith.constant 144 : index
    %get3A_217 = arith.constant 0 : index
    %get3A_218 = vector.load %arg6[%get3A_216, %get3A_217] : memref<1024x2048xf32, #tpu.memory_space<vmem>>, vector<8x2048xf32>
    %add3A_219 = arith.addf %broadcast_in_dim3A_9, %get3A_218 : vector<8x2048xf32>
    %sub3A_220 = arith.subf %add3A_219, %slice3A_215 : vector<8x2048xf32>
    %lt3A_221 = arith.cmpf olt, %sub3A_220, %min3A_211 : vector<8x2048xf32>
    %min3A_222 = arith.minimumf %min3A_211, %sub3A_220 : vector<8x2048xf32>
    %broadcast_in_dim3A_223 = arith.constant 1.800000e+01 : f32
    %broadcast_in_dim3A_224 = vector.broadcast %broadcast_in_dim3A_223 : f32 to vector<8x2048xf32>
    %select_n3A_225 = arith.select %lt3A_221, %broadcast_in_dim3A_224, %select_n3A_214 : vector<8x2048xi1>, vector<8x2048xf32>
    %slice3A_226 = vector.extract_strided_slice %dot_general3A_192 {offsets = [24, 0], sizes = [8, 2048], strides = [1, 1]} : vector<128x2048xf32> to vector<8x2048xf32>
    %get3A_227 = arith.constant 152 : index
    %get3A_228 = arith.constant 0 : index
    %get3A_229 = vector.load %arg6[%get3A_227, %get3A_228] : memref<1024x2048xf32, #tpu.memory_space<vmem>>, vector<8x2048xf32>
    %add3A_230 = arith.addf %broadcast_in_dim3A_9, %get3A_229 : vector<8x2048xf32>
    %sub3A_231 = arith.subf %add3A_230, %slice3A_226 : vector<8x2048xf32>
    %lt3A_232 = arith.cmpf olt, %sub3A_231, %min3A_222 : vector<8x2048xf32>
    %min3A_233 = arith.minimumf %min3A_222, %sub3A_231 : vector<8x2048xf32>
    %broadcast_in_dim3A_234 = arith.constant 1.900000e+01 : f32
    %broadcast_in_dim3A_235 = vector.broadcast %broadcast_in_dim3A_234 : f32 to vector<8x2048xf32>
    %select_n3A_236 = arith.select %lt3A_232, %broadcast_in_dim3A_235, %select_n3A_225 : vector<8x2048xi1>, vector<8x2048xf32>
    %slice3A_237 = vector.extract_strided_slice %dot_general3A_192 {offsets = [32, 0], sizes = [8, 2048], strides = [1, 1]} : vector<128x2048xf32> to vector<8x2048xf32>
    %get3A_238 = arith.constant 160 : index
    %get3A_239 = arith.constant 0 : index
    %get3A_240 = vector.load %arg6[%get3A_238, %get3A_239] : memref<1024x2048xf32, #tpu.memory_space<vmem>>, vector<8x2048xf32>
    %add3A_241 = arith.addf %broadcast_in_dim3A_9, %get3A_240 : vector<8x2048xf32>
    %sub3A_242 = arith.subf %add3A_241, %slice3A_237 : vector<8x2048xf32>
    %lt3A_243 = arith.cmpf olt, %sub3A_242, %min3A_233 : vector<8x2048xf32>
    %min3A_244 = arith.minimumf %min3A_233, %sub3A_242 : vector<8x2048xf32>
    %broadcast_in_dim3A_245 = arith.constant 2.000000e+01 : f32
    %broadcast_in_dim3A_246 = vector.broadcast %broadcast_in_dim3A_245 : f32 to vector<8x2048xf32>
    %select_n3A_247 = arith.select %lt3A_243, %broadcast_in_dim3A_246, %select_n3A_236 : vector<8x2048xi1>, vector<8x2048xf32>
    %slice3A_248 = vector.extract_strided_slice %dot_general3A_192 {offsets = [40, 0], sizes = [8, 2048], strides = [1, 1]} : vector<128x2048xf32> to vector<8x2048xf32>
    %get3A_249 = arith.constant 168 : index
    %get3A_250 = arith.constant 0 : index
    %get3A_251 = vector.load %arg6[%get3A_249, %get3A_250] : memref<1024x2048xf32, #tpu.memory_space<vmem>>, vector<8x2048xf32>
    %add3A_252 = arith.addf %broadcast_in_dim3A_9, %get3A_251 : vector<8x2048xf32>
    %sub3A_253 = arith.subf %add3A_252, %slice3A_248 : vector<8x2048xf32>
    %lt3A_254 = arith.cmpf olt, %sub3A_253, %min3A_244 : vector<8x2048xf32>
    %min3A_255 = arith.minimumf %min3A_244, %sub3A_253 : vector<8x2048xf32>
    %broadcast_in_dim3A_256 = arith.constant 2.100000e+01 : f32
    %broadcast_in_dim3A_257 = vector.broadcast %broadcast_in_dim3A_256 : f32 to vector<8x2048xf32>
    %select_n3A_258 = arith.select %lt3A_254, %broadcast_in_dim3A_257, %select_n3A_247 : vector<8x2048xi1>, vector<8x2048xf32>
    %slice3A_259 = vector.extract_strided_slice %dot_general3A_192 {offsets = [48, 0], sizes = [8, 2048], strides = [1, 1]} : vector<128x2048xf32> to vector<8x2048xf32>
    %get3A_260 = arith.constant 176 : index
    %get3A_261 = arith.constant 0 : index
    %get3A_262 = vector.load %arg6[%get3A_260, %get3A_261] : memref<1024x2048xf32, #tpu.memory_space<vmem>>, vector<8x2048xf32>
    %add3A_263 = arith.addf %broadcast_in_dim3A_9, %get3A_262 : vector<8x2048xf32>
    %sub3A_264 = arith.subf %add3A_263, %slice3A_259 : vector<8x2048xf32>
    %lt3A_265 = arith.cmpf olt, %sub3A_264, %min3A_255 : vector<8x2048xf32>
    %min3A_266 = arith.minimumf %min3A_255, %sub3A_264 : vector<8x2048xf32>
    %broadcast_in_dim3A_267 = arith.constant 2.200000e+01 : f32
    %broadcast_in_dim3A_268 = vector.broadcast %broadcast_in_dim3A_267 : f32 to vector<8x2048xf32>
    %select_n3A_269 = arith.select %lt3A_265, %broadcast_in_dim3A_268, %select_n3A_258 : vector<8x2048xi1>, vector<8x2048xf32>
    %slice3A_270 = vector.extract_strided_slice %dot_general3A_192 {offsets = [56, 0], sizes = [8, 2048], strides = [1, 1]} : vector<128x2048xf32> to vector<8x2048xf32>
    %get3A_271 = arith.constant 184 : index
    %get3A_272 = arith.constant 0 : index
    %get3A_273 = vector.load %arg6[%get3A_271, %get3A_272] : memref<1024x2048xf32, #tpu.memory_space<vmem>>, vector<8x2048xf32>
    %add3A_274 = arith.addf %broadcast_in_dim3A_9, %get3A_273 : vector<8x2048xf32>
    %sub3A_275 = arith.subf %add3A_274, %slice3A_270 : vector<8x2048xf32>
    %lt3A_276 = arith.cmpf olt, %sub3A_275, %min3A_266 : vector<8x2048xf32>
    %min3A_277 = arith.minimumf %min3A_266, %sub3A_275 : vector<8x2048xf32>
    %broadcast_in_dim3A_278 = arith.constant 2.300000e+01 : f32
    %broadcast_in_dim3A_279 = vector.broadcast %broadcast_in_dim3A_278 : f32 to vector<8x2048xf32>
    %select_n3A_280 = arith.select %lt3A_276, %broadcast_in_dim3A_279, %select_n3A_269 : vector<8x2048xi1>, vector<8x2048xf32>
    %slice3A_281 = vector.extract_strided_slice %dot_general3A_192 {offsets = [64, 0], sizes = [8, 2048], strides = [1, 1]} : vector<128x2048xf32> to vector<8x2048xf32>
    %get3A_282 = arith.constant 192 : index
    %get3A_283 = arith.constant 0 : index
    %get3A_284 = vector.load %arg6[%get3A_282, %get3A_283] : memref<1024x2048xf32, #tpu.memory_space<vmem>>, vector<8x2048xf32>
    %add3A_285 = arith.addf %broadcast_in_dim3A_9, %get3A_284 : vector<8x2048xf32>
    %sub3A_286 = arith.subf %add3A_285, %slice3A_281 : vector<8x2048xf32>
    %lt3A_287 = arith.cmpf olt, %sub3A_286, %min3A_277 : vector<8x2048xf32>
    %min3A_288 = arith.minimumf %min3A_277, %sub3A_286 : vector<8x2048xf32>
    %broadcast_in_dim3A_289 = arith.constant 2.400000e+01 : f32
    %broadcast_in_dim3A_290 = vector.broadcast %broadcast_in_dim3A_289 : f32 to vector<8x2048xf32>
    %select_n3A_291 = arith.select %lt3A_287, %broadcast_in_dim3A_290, %select_n3A_280 : vector<8x2048xi1>, vector<8x2048xf32>
    %slice3A_292 = vector.extract_strided_slice %dot_general3A_192 {offsets = [72, 0], sizes = [8, 2048], strides = [1, 1]} : vector<128x2048xf32> to vector<8x2048xf32>
    %get3A_293 = arith.constant 200 : index
    %get3A_294 = arith.constant 0 : index
    %get3A_295 = vector.load %arg6[%get3A_293, %get3A_294] : memref<1024x2048xf32, #tpu.memory_space<vmem>>, vector<8x2048xf32>
    %add3A_296 = arith.addf %broadcast_in_dim3A_9, %get3A_295 : vector<8x2048xf32>
    %sub3A_297 = arith.subf %add3A_296, %slice3A_292 : vector<8x2048xf32>
    %lt3A_298 = arith.cmpf olt, %sub3A_297, %min3A_288 : vector<8x2048xf32>
    %min3A_299 = arith.minimumf %min3A_288, %sub3A_297 : vector<8x2048xf32>
    %broadcast_in_dim3A_300 = arith.constant 2.500000e+01 : f32
    %broadcast_in_dim3A_301 = vector.broadcast %broadcast_in_dim3A_300 : f32 to vector<8x2048xf32>
    %select_n3A_302 = arith.select %lt3A_298, %broadcast_in_dim3A_301, %select_n3A_291 : vector<8x2048xi1>, vector<8x2048xf32>
    %slice3A_303 = vector.extract_strided_slice %dot_general3A_192 {offsets = [80, 0], sizes = [8, 2048], strides = [1, 1]} : vector<128x2048xf32> to vector<8x2048xf32>
    %get3A_304 = arith.constant 208 : index
    %get3A_305 = arith.constant 0 : index
    %get3A_306 = vector.load %arg6[%get3A_304, %get3A_305] : memref<1024x2048xf32, #tpu.memory_space<vmem>>, vector<8x2048xf32>
    %add3A_307 = arith.addf %broadcast_in_dim3A_9, %get3A_306 : vector<8x2048xf32>
    %sub3A_308 = arith.subf %add3A_307, %slice3A_303 : vector<8x2048xf32>
    %lt3A_309 = arith.cmpf olt, %sub3A_308, %min3A_299 : vector<8x2048xf32>
    %min3A_310 = arith.minimumf %min3A_299, %sub3A_308 : vector<8x2048xf32>
    %broadcast_in_dim3A_311 = arith.constant 2.600000e+01 : f32
    %broadcast_in_dim3A_312 = vector.broadcast %broadcast_in_dim3A_311 : f32 to vector<8x2048xf32>
    %select_n3A_313 = arith.select %lt3A_309, %broadcast_in_dim3A_312, %select_n3A_302 : vector<8x2048xi1>, vector<8x2048xf32>
    %slice3A_314 = vector.extract_strided_slice %dot_general3A_192 {offsets = [88, 0], sizes = [8, 2048], strides = [1, 1]} : vector<128x2048xf32> to vector<8x2048xf32>
    %get3A_315 = arith.constant 216 : index
    %get3A_316 = arith.constant 0 : index
    %get3A_317 = vector.load %arg6[%get3A_315, %get3A_316] : memref<1024x2048xf32, #tpu.memory_space<vmem>>, vector<8x2048xf32>
    %add3A_318 = arith.addf %broadcast_in_dim3A_9, %get3A_317 : vector<8x2048xf32>
    %sub3A_319 = arith.subf %add3A_318, %slice3A_314 : vector<8x2048xf32>
    %lt3A_320 = arith.cmpf olt, %sub3A_319, %min3A_310 : vector<8x2048xf32>
    %min3A_321 = arith.minimumf %min3A_310, %sub3A_319 : vector<8x2048xf32>
    %broadcast_in_dim3A_322 = arith.constant 2.700000e+01 : f32
    %broadcast_in_dim3A_323 = vector.broadcast %broadcast_in_dim3A_322 : f32 to vector<8x2048xf32>
    %select_n3A_324 = arith.select %lt3A_320, %broadcast_in_dim3A_323, %select_n3A_313 : vector<8x2048xi1>, vector<8x2048xf32>
    %slice3A_325 = vector.extract_strided_slice %dot_general3A_192 {offsets = [96, 0], sizes = [8, 2048], strides = [1, 1]} : vector<128x2048xf32> to vector<8x2048xf32>
    %get3A_326 = arith.constant 224 : index
    %get3A_327 = arith.constant 0 : index
    %get3A_328 = vector.load %arg6[%get3A_326, %get3A_327] : memref<1024x2048xf32, #tpu.memory_space<vmem>>, vector<8x2048xf32>
    %add3A_329 = arith.addf %broadcast_in_dim3A_9, %get3A_328 : vector<8x2048xf32>
    %sub3A_330 = arith.subf %add3A_329, %slice3A_325 : vector<8x2048xf32>
    %lt3A_331 = arith.cmpf olt, %sub3A_330, %min3A_321 : vector<8x2048xf32>
    %min3A_332 = arith.minimumf %min3A_321, %sub3A_330 : vector<8x2048xf32>
    %broadcast_in_dim3A_333 = arith.constant 2.800000e+01 : f32
    %broadcast_in_dim3A_334 = vector.broadcast %broadcast_in_dim3A_333 : f32 to vector<8x2048xf32>
    %select_n3A_335 = arith.select %lt3A_331, %broadcast_in_dim3A_334, %select_n3A_324 : vector<8x2048xi1>, vector<8x2048xf32>
    %slice3A_336 = vector.extract_strided_slice %dot_general3A_192 {offsets = [104, 0], sizes = [8, 2048], strides = [1, 1]} : vector<128x2048xf32> to vector<8x2048xf32>
    %get3A_337 = arith.constant 232 : index
    %get3A_338 = arith.constant 0 : index
    %get3A_339 = vector.load %arg6[%get3A_337, %get3A_338] : memref<1024x2048xf32, #tpu.memory_space<vmem>>, vector<8x2048xf32>
    %add3A_340 = arith.addf %broadcast_in_dim3A_9, %get3A_339 : vector<8x2048xf32>
    %sub3A_341 = arith.subf %add3A_340, %slice3A_336 : vector<8x2048xf32>
    %lt3A_342 = arith.cmpf olt, %sub3A_341, %min3A_332 : vector<8x2048xf32>
    %min3A_343 = arith.minimumf %min3A_332, %sub3A_341 : vector<8x2048xf32>
    %broadcast_in_dim3A_344 = arith.constant 2.900000e+01 : f32
    %broadcast_in_dim3A_345 = vector.broadcast %broadcast_in_dim3A_344 : f32 to vector<8x2048xf32>
    %select_n3A_346 = arith.select %lt3A_342, %broadcast_in_dim3A_345, %select_n3A_335 : vector<8x2048xi1>, vector<8x2048xf32>
    %slice3A_347 = vector.extract_strided_slice %dot_general3A_192 {offsets = [112, 0], sizes = [8, 2048], strides = [1, 1]} : vector<128x2048xf32> to vector<8x2048xf32>
    %get3A_348 = arith.constant 240 : index
    %get3A_349 = arith.constant 0 : index
    %get3A_350 = vector.load %arg6[%get3A_348, %get3A_349] : memref<1024x2048xf32, #tpu.memory_space<vmem>>, vector<8x2048xf32>
    %add3A_351 = arith.addf %broadcast_in_dim3A_9, %get3A_350 : vector<8x2048xf32>
    %sub3A_352 = arith.subf %add3A_351, %slice3A_347 : vector<8x2048xf32>
    %lt3A_353 = arith.cmpf olt, %sub3A_352, %min3A_343 : vector<8x2048xf32>
    %min3A_354 = arith.minimumf %min3A_343, %sub3A_352 : vector<8x2048xf32>
    %broadcast_in_dim3A_355 = arith.constant 3.000000e+01 : f32
    %broadcast_in_dim3A_356 = vector.broadcast %broadcast_in_dim3A_355 : f32 to vector<8x2048xf32>
    %select_n3A_357 = arith.select %lt3A_353, %broadcast_in_dim3A_356, %select_n3A_346 : vector<8x2048xi1>, vector<8x2048xf32>
    %slice3A_358 = vector.extract_strided_slice %dot_general3A_192 {offsets = [120, 0], sizes = [8, 2048], strides = [1, 1]} : vector<128x2048xf32> to vector<8x2048xf32>
    %get3A_359 = arith.constant 248 : index
    %get3A_360 = arith.constant 0 : index
    %get3A_361 = vector.load %arg6[%get3A_359, %get3A_360] : memref<1024x2048xf32, #tpu.memory_space<vmem>>, vector<8x2048xf32>
    %add3A_362 = arith.addf %broadcast_in_dim3A_9, %get3A_361 : vector<8x2048xf32>
    %sub3A_363 = arith.subf %add3A_362, %slice3A_358 : vector<8x2048xf32>
    %lt3A_364 = arith.cmpf olt, %sub3A_363, %min3A_354 : vector<8x2048xf32>
    %min3A_365 = arith.minimumf %min3A_354, %sub3A_363 : vector<8x2048xf32>
    %broadcast_in_dim3A_366 = arith.constant 3.100000e+01 : f32
    %broadcast_in_dim3A_367 = vector.broadcast %broadcast_in_dim3A_366 : f32 to vector<8x2048xf32>
    %select_n3A_368 = arith.select %lt3A_364, %broadcast_in_dim3A_367, %select_n3A_357 : vector<8x2048xi1>, vector<8x2048xf32>
    %get3A_369 = arith.constant 256 : index
    %get3A_370 = arith.constant 0 : index
    %get3A_371 = vector.load %arg7[%get3A_369, %get3A_370] : memref<1024x64xf32, #tpu.memory_space<vmem>>, vector<128x64xf32>
    %dot_general3A_372 = arith.constant dense<0.000000e+00> : vector<128x2048xf32>
    %dot_general3A_373 = tpu.matmul %get3A_371, %get3A_1, %dot_general3A_372 {dimension_numbers = #tpu.dot_dimension_numbers<[1], [1], [0], [0], [0, 0, 1, 0], [], []>, transpose_lhs_hint = false} : vector<128x64xf32>, vector<2048x64xf32>, vector<128x2048xf32> -> vector<128x2048xf32>
    %slice3A_374 = vector.extract_strided_slice %dot_general3A_373 {offsets = [0, 0], sizes = [8, 2048], strides = [1, 1]} : vector<128x2048xf32> to vector<8x2048xf32>
    %get3A_375 = arith.constant 256 : index
    %get3A_376 = arith.constant 0 : index
    %get3A_377 = vector.load %arg6[%get3A_375, %get3A_376] : memref<1024x2048xf32, #tpu.memory_space<vmem>>, vector<8x2048xf32>
    %add3A_378 = arith.addf %broadcast_in_dim3A_9, %get3A_377 : vector<8x2048xf32>
    %sub3A_379 = arith.subf %add3A_378, %slice3A_374 : vector<8x2048xf32>
    %lt3A_380 = arith.cmpf olt, %sub3A_379, %min3A_365 : vector<8x2048xf32>
    %min3A_381 = arith.minimumf %min3A_365, %sub3A_379 : vector<8x2048xf32>
    %broadcast_in_dim3A_382 = arith.constant 3.200000e+01 : f32
    %broadcast_in_dim3A_383 = vector.broadcast %broadcast_in_dim3A_382 : f32 to vector<8x2048xf32>
    %select_n3A_384 = arith.select %lt3A_380, %broadcast_in_dim3A_383, %select_n3A_368 : vector<8x2048xi1>, vector<8x2048xf32>
    %slice3A_385 = vector.extract_strided_slice %dot_general3A_373 {offsets = [8, 0], sizes = [8, 2048], strides = [1, 1]} : vector<128x2048xf32> to vector<8x2048xf32>
    %get3A_386 = arith.constant 264 : index
    %get3A_387 = arith.constant 0 : index
    %get3A_388 = vector.load %arg6[%get3A_386, %get3A_387] : memref<1024x2048xf32, #tpu.memory_space<vmem>>, vector<8x2048xf32>
    %add3A_389 = arith.addf %broadcast_in_dim3A_9, %get3A_388 : vector<8x2048xf32>
    %sub3A_390 = arith.subf %add3A_389, %slice3A_385 : vector<8x2048xf32>
    %lt3A_391 = arith.cmpf olt, %sub3A_390, %min3A_381 : vector<8x2048xf32>
    %min3A_392 = arith.minimumf %min3A_381, %sub3A_390 : vector<8x2048xf32>
    %broadcast_in_dim3A_393 = arith.constant 3.300000e+01 : f32
    %broadcast_in_dim3A_394 = vector.broadcast %broadcast_in_dim3A_393 : f32 to vector<8x2048xf32>
    %select_n3A_395 = arith.select %lt3A_391, %broadcast_in_dim3A_394, %select_n3A_384 : vector<8x2048xi1>, vector<8x2048xf32>
    %slice3A_396 = vector.extract_strided_slice %dot_general3A_373 {offsets = [16, 0], sizes = [8, 2048], strides = [1, 1]} : vector<128x2048xf32> to vector<8x2048xf32>
    %get3A_397 = arith.constant 272 : index
    %get3A_398 = arith.constant 0 : index
    %get3A_399 = vector.load %arg6[%get3A_397, %get3A_398] : memref<1024x2048xf32, #tpu.memory_space<vmem>>, vector<8x2048xf32>
    %add3A_400 = arith.addf %broadcast_in_dim3A_9, %get3A_399 : vector<8x2048xf32>
    %sub3A_401 = arith.subf %add3A_400, %slice3A_396 : vector<8x2048xf32>
    %lt3A_402 = arith.cmpf olt, %sub3A_401, %min3A_392 : vector<8x2048xf32>
    %min3A_403 = arith.minimumf %min3A_392, %sub3A_401 : vector<8x2048xf32>
    %broadcast_in_dim3A_404 = arith.constant 3.400000e+01 : f32
    %broadcast_in_dim3A_405 = vector.broadcast %broadcast_in_dim3A_404 : f32 to vector<8x2048xf32>
    %select_n3A_406 = arith.select %lt3A_402, %broadcast_in_dim3A_405, %select_n3A_395 : vector<8x2048xi1>, vector<8x2048xf32>
    %slice3A_407 = vector.extract_strided_slice %dot_general3A_373 {offsets = [24, 0], sizes = [8, 2048], strides = [1, 1]} : vector<128x2048xf32> to vector<8x2048xf32>
    %get3A_408 = arith.constant 280 : index
    %get3A_409 = arith.constant 0 : index
    %get3A_410 = vector.load %arg6[%get3A_408, %get3A_409] : memref<1024x2048xf32, #tpu.memory_space<vmem>>, vector<8x2048xf32>
    %add3A_411 = arith.addf %broadcast_in_dim3A_9, %get3A_410 : vector<8x2048xf32>
    %sub3A_412 = arith.subf %add3A_411, %slice3A_407 : vector<8x2048xf32>
    %lt3A_413 = arith.cmpf olt, %sub3A_412, %min3A_403 : vector<8x2048xf32>
    %min3A_414 = arith.minimumf %min3A_403, %sub3A_412 : vector<8x2048xf32>
    %broadcast_in_dim3A_415 = arith.constant 3.500000e+01 : f32
    %broadcast_in_dim3A_416 = vector.broadcast %broadcast_in_dim3A_415 : f32 to vector<8x2048xf32>
    %select_n3A_417 = arith.select %lt3A_413, %broadcast_in_dim3A_416, %select_n3A_406 : vector<8x2048xi1>, vector<8x2048xf32>
    %slice3A_418 = vector.extract_strided_slice %dot_general3A_373 {offsets = [32, 0], sizes = [8, 2048], strides = [1, 1]} : vector<128x2048xf32> to vector<8x2048xf32>
    %get3A_419 = arith.constant 288 : index
    %get3A_420 = arith.constant 0 : index
    %get3A_421 = vector.load %arg6[%get3A_419, %get3A_420] : memref<1024x2048xf32, #tpu.memory_space<vmem>>, vector<8x2048xf32>
    %add3A_422 = arith.addf %broadcast_in_dim3A_9, %get3A_421 : vector<8x2048xf32>
    %sub3A_423 = arith.subf %add3A_422, %slice3A_418 : vector<8x2048xf32>
    %lt3A_424 = arith.cmpf olt, %sub3A_423, %min3A_414 : vector<8x2048xf32>
    %min3A_425 = arith.minimumf %min3A_414, %sub3A_423 : vector<8x2048xf32>
    %broadcast_in_dim3A_426 = arith.constant 3.600000e+01 : f32
    %broadcast_in_dim3A_427 = vector.broadcast %broadcast_in_dim3A_426 : f32 to vector<8x2048xf32>
    %select_n3A_428 = arith.select %lt3A_424, %broadcast_in_dim3A_427, %select_n3A_417 : vector<8x2048xi1>, vector<8x2048xf32>
    %slice3A_429 = vector.extract_strided_slice %dot_general3A_373 {offsets = [40, 0], sizes = [8, 2048], strides = [1, 1]} : vector<128x2048xf32> to vector<8x2048xf32>
    %get3A_430 = arith.constant 296 : index
    %get3A_431 = arith.constant 0 : index
    %get3A_432 = vector.load %arg6[%get3A_430, %get3A_431] : memref<1024x2048xf32, #tpu.memory_space<vmem>>, vector<8x2048xf32>
    %add3A_433 = arith.addf %broadcast_in_dim3A_9, %get3A_432 : vector<8x2048xf32>
    %sub3A_434 = arith.subf %add3A_433, %slice3A_429 : vector<8x2048xf32>
    %lt3A_435 = arith.cmpf olt, %sub3A_434, %min3A_425 : vector<8x2048xf32>
    %min3A_436 = arith.minimumf %min3A_425, %sub3A_434 : vector<8x2048xf32>
    %broadcast_in_dim3A_437 = arith.constant 3.700000e+01 : f32
    %broadcast_in_dim3A_438 = vector.broadcast %broadcast_in_dim3A_437 : f32 to vector<8x2048xf32>
    %select_n3A_439 = arith.select %lt3A_435, %broadcast_in_dim3A_438, %select_n3A_428 : vector<8x2048xi1>, vector<8x2048xf32>
    %slice3A_440 = vector.extract_strided_slice %dot_general3A_373 {offsets = [48, 0], sizes = [8, 2048], strides = [1, 1]} : vector<128x2048xf32> to vector<8x2048xf32>
    %get3A_441 = arith.constant 304 : index
    %get3A_442 = arith.constant 0 : index
    %get3A_443 = vector.load %arg6[%get3A_441, %get3A_442] : memref<1024x2048xf32, #tpu.memory_space<vmem>>, vector<8x2048xf32>
    %add3A_444 = arith.addf %broadcast_in_dim3A_9, %get3A_443 : vector<8x2048xf32>
    %sub3A_445 = arith.subf %add3A_444, %slice3A_440 : vector<8x2048xf32>
    %lt3A_446 = arith.cmpf olt, %sub3A_445, %min3A_436 : vector<8x2048xf32>
    %min3A_447 = arith.minimumf %min3A_436, %sub3A_445 : vector<8x2048xf32>
    %broadcast_in_dim3A_448 = arith.constant 3.800000e+01 : f32
    %broadcast_in_dim3A_449 = vector.broadcast %broadcast_in_dim3A_448 : f32 to vector<8x2048xf32>
    %select_n3A_450 = arith.select %lt3A_446, %broadcast_in_dim3A_449, %select_n3A_439 : vector<8x2048xi1>, vector<8x2048xf32>
    %slice3A_451 = vector.extract_strided_slice %dot_general3A_373 {offsets = [56, 0], sizes = [8, 2048], strides = [1, 1]} : vector<128x2048xf32> to vector<8x2048xf32>
    %get3A_452 = arith.constant 312 : index
    %get3A_453 = arith.constant 0 : index
    %get3A_454 = vector.load %arg6[%get3A_452, %get3A_453] : memref<1024x2048xf32, #tpu.memory_space<vmem>>, vector<8x2048xf32>
    %add3A_455 = arith.addf %broadcast_in_dim3A_9, %get3A_454 : vector<8x2048xf32>
    %sub3A_456 = arith.subf %add3A_455, %slice3A_451 : vector<8x2048xf32>
    %lt3A_457 = arith.cmpf olt, %sub3A_456, %min3A_447 : vector<8x2048xf32>
    %min3A_458 = arith.minimumf %min3A_447, %sub3A_456 : vector<8x2048xf32>
    %broadcast_in_dim3A_459 = arith.constant 3.900000e+01 : f32
    %broadcast_in_dim3A_460 = vector.broadcast %broadcast_in_dim3A_459 : f32 to vector<8x2048xf32>
    %select_n3A_461 = arith.select %lt3A_457, %broadcast_in_dim3A_460, %select_n3A_450 : vector<8x2048xi1>, vector<8x2048xf32>
    %slice3A_462 = vector.extract_strided_slice %dot_general3A_373 {offsets = [64, 0], sizes = [8, 2048], strides = [1, 1]} : vector<128x2048xf32> to vector<8x2048xf32>
    %get3A_463 = arith.constant 320 : index
    %get3A_464 = arith.constant 0 : index
    %get3A_465 = vector.load %arg6[%get3A_463, %get3A_464] : memref<1024x2048xf32, #tpu.memory_space<vmem>>, vector<8x2048xf32>
    %add3A_466 = arith.addf %broadcast_in_dim3A_9, %get3A_465 : vector<8x2048xf32>
    %sub3A_467 = arith.subf %add3A_466, %slice3A_462 : vector<8x2048xf32>
    %lt3A_468 = arith.cmpf olt, %sub3A_467, %min3A_458 : vector<8x2048xf32>
    %min3A_469 = arith.minimumf %min3A_458, %sub3A_467 : vector<8x2048xf32>
    %broadcast_in_dim3A_470 = arith.constant 4.000000e+01 : f32
    %broadcast_in_dim3A_471 = vector.broadcast %broadcast_in_dim3A_470 : f32 to vector<8x2048xf32>
    %select_n3A_472 = arith.select %lt3A_468, %broadcast_in_dim3A_471, %select_n3A_461 : vector<8x2048xi1>, vector<8x2048xf32>
    %slice3A_473 = vector.extract_strided_slice %dot_general3A_373 {offsets = [72, 0], sizes = [8, 2048], strides = [1, 1]} : vector<128x2048xf32> to vector<8x2048xf32>
    %get3A_474 = arith.constant 328 : index
    %get3A_475 = arith.constant 0 : index
    %get3A_476 = vector.load %arg6[%get3A_474, %get3A_475] : memref<1024x2048xf32, #tpu.memory_space<vmem>>, vector<8x2048xf32>
    %add3A_477 = arith.addf %broadcast_in_dim3A_9, %get3A_476 : vector<8x2048xf32>
    %sub3A_478 = arith.subf %add3A_477, %slice3A_473 : vector<8x2048xf32>
    %lt3A_479 = arith.cmpf olt, %sub3A_478, %min3A_469 : vector<8x2048xf32>
    %min3A_480 = arith.minimumf %min3A_469, %sub3A_478 : vector<8x2048xf32>
    %broadcast_in_dim3A_481 = arith.constant 4.100000e+01 : f32
    %broadcast_in_dim3A_482 = vector.broadcast %broadcast_in_dim3A_481 : f32 to vector<8x2048xf32>
    %select_n3A_483 = arith.select %lt3A_479, %broadcast_in_dim3A_482, %select_n3A_472 : vector<8x2048xi1>, vector<8x2048xf32>
    %slice3A_484 = vector.extract_strided_slice %dot_general3A_373 {offsets = [80, 0], sizes = [8, 2048], strides = [1, 1]} : vector<128x2048xf32> to vector<8x2048xf32>
    %get3A_485 = arith.constant 336 : index
    %get3A_486 = arith.constant 0 : index
    %get3A_487 = vector.load %arg6[%get3A_485, %get3A_486] : memref<1024x2048xf32, #tpu.memory_space<vmem>>, vector<8x2048xf32>
    %add3A_488 = arith.addf %broadcast_in_dim3A_9, %get3A_487 : vector<8x2048xf32>
    %sub3A_489 = arith.subf %add3A_488, %slice3A_484 : vector<8x2048xf32>
    %lt3A_490 = arith.cmpf olt, %sub3A_489, %min3A_480 : vector<8x2048xf32>
    %min3A_491 = arith.minimumf %min3A_480, %sub3A_489 : vector<8x2048xf32>
    %broadcast_in_dim3A_492 = arith.constant 4.200000e+01 : f32
    %broadcast_in_dim3A_493 = vector.broadcast %broadcast_in_dim3A_492 : f32 to vector<8x2048xf32>
    %select_n3A_494 = arith.select %lt3A_490, %broadcast_in_dim3A_493, %select_n3A_483 : vector<8x2048xi1>, vector<8x2048xf32>
    %slice3A_495 = vector.extract_strided_slice %dot_general3A_373 {offsets = [88, 0], sizes = [8, 2048], strides = [1, 1]} : vector<128x2048xf32> to vector<8x2048xf32>
    %get3A_496 = arith.constant 344 : index
    %get3A_497 = arith.constant 0 : index
    %get3A_498 = vector.load %arg6[%get3A_496, %get3A_497] : memref<1024x2048xf32, #tpu.memory_space<vmem>>, vector<8x2048xf32>
    %add3A_499 = arith.addf %broadcast_in_dim3A_9, %get3A_498 : vector<8x2048xf32>
    %sub3A_500 = arith.subf %add3A_499, %slice3A_495 : vector<8x2048xf32>
    %lt3A_501 = arith.cmpf olt, %sub3A_500, %min3A_491 : vector<8x2048xf32>
    %min3A_502 = arith.minimumf %min3A_491, %sub3A_500 : vector<8x2048xf32>
    %broadcast_in_dim3A_503 = arith.constant 4.300000e+01 : f32
    %broadcast_in_dim3A_504 = vector.broadcast %broadcast_in_dim3A_503 : f32 to vector<8x2048xf32>
    %select_n3A_505 = arith.select %lt3A_501, %broadcast_in_dim3A_504, %select_n3A_494 : vector<8x2048xi1>, vector<8x2048xf32>
    %slice3A_506 = vector.extract_strided_slice %dot_general3A_373 {offsets = [96, 0], sizes = [8, 2048], strides = [1, 1]} : vector<128x2048xf32> to vector<8x2048xf32>
    %get3A_507 = arith.constant 352 : index
    %get3A_508 = arith.constant 0 : index
    %get3A_509 = vector.load %arg6[%get3A_507, %get3A_508] : memref<1024x2048xf32, #tpu.memory_space<vmem>>, vector<8x2048xf32>
    %add3A_510 = arith.addf %broadcast_in_dim3A_9, %get3A_509 : vector<8x2048xf32>
    %sub3A_511 = arith.subf %add3A_510, %slice3A_506 : vector<8x2048xf32>
    %lt3A_512 = arith.cmpf olt, %sub3A_511, %min3A_502 : vector<8x2048xf32>
    %min3A_513 = arith.minimumf %min3A_502, %sub3A_511 : vector<8x2048xf32>
    %broadcast_in_dim3A_514 = arith.constant 4.400000e+01 : f32
    %broadcast_in_dim3A_515 = vector.broadcast %broadcast_in_dim3A_514 : f32 to vector<8x2048xf32>
    %select_n3A_516 = arith.select %lt3A_512, %broadcast_in_dim3A_515, %select_n3A_505 : vector<8x2048xi1>, vector<8x2048xf32>
    %slice3A_517 = vector.extract_strided_slice %dot_general3A_373 {offsets = [104, 0], sizes = [8, 2048], strides = [1, 1]} : vector<128x2048xf32> to vector<8x2048xf32>
    %get3A_518 = arith.constant 360 : index
    %get3A_519 = arith.constant 0 : index
    %get3A_520 = vector.load %arg6[%get3A_518, %get3A_519] : memref<1024x2048xf32, #tpu.memory_space<vmem>>, vector<8x2048xf32>
    %add3A_521 = arith.addf %broadcast_in_dim3A_9, %get3A_520 : vector<8x2048xf32>
    %sub3A_522 = arith.subf %add3A_521, %slice3A_517 : vector<8x2048xf32>
    %lt3A_523 = arith.cmpf olt, %sub3A_522, %min3A_513 : vector<8x2048xf32>
    %min3A_524 = arith.minimumf %min3A_513, %sub3A_522 : vector<8x2048xf32>
    %broadcast_in_dim3A_525 = arith.constant 4.500000e+01 : f32
    %broadcast_in_dim3A_526 = vector.broadcast %broadcast_in_dim3A_525 : f32 to vector<8x2048xf32>
    %select_n3A_527 = arith.select %lt3A_523, %broadcast_in_dim3A_526, %select_n3A_516 : vector<8x2048xi1>, vector<8x2048xf32>
    %slice3A_528 = vector.extract_strided_slice %dot_general3A_373 {offsets = [112, 0], sizes = [8, 2048], strides = [1, 1]} : vector<128x2048xf32> to vector<8x2048xf32>
    %get3A_529 = arith.constant 368 : index
    %get3A_530 = arith.constant 0 : index
    %get3A_531 = vector.load %arg6[%get3A_529, %get3A_530] : memref<1024x2048xf32, #tpu.memory_space<vmem>>, vector<8x2048xf32>
    %add3A_532 = arith.addf %broadcast_in_dim3A_9, %get3A_531 : vector<8x2048xf32>
    %sub3A_533 = arith.subf %add3A_532, %slice3A_528 : vector<8x2048xf32>
    %lt3A_534 = arith.cmpf olt, %sub3A_533, %min3A_524 : vector<8x2048xf32>
    %min3A_535 = arith.minimumf %min3A_524, %sub3A_533 : vector<8x2048xf32>
    %broadcast_in_dim3A_536 = arith.constant 4.600000e+01 : f32
    %broadcast_in_dim3A_537 = vector.broadcast %broadcast_in_dim3A_536 : f32 to vector<8x2048xf32>
    %select_n3A_538 = arith.select %lt3A_534, %broadcast_in_dim3A_537, %select_n3A_527 : vector<8x2048xi1>, vector<8x2048xf32>
    %slice3A_539 = vector.extract_strided_slice %dot_general3A_373 {offsets = [120, 0], sizes = [8, 2048], strides = [1, 1]} : vector<128x2048xf32> to vector<8x2048xf32>
    %get3A_540 = arith.constant 376 : index
    %get3A_541 = arith.constant 0 : index
    %get3A_542 = vector.load %arg6[%get3A_540, %get3A_541] : memref<1024x2048xf32, #tpu.memory_space<vmem>>, vector<8x2048xf32>
    %add3A_543 = arith.addf %broadcast_in_dim3A_9, %get3A_542 : vector<8x2048xf32>
    %sub3A_544 = arith.subf %add3A_543, %slice3A_539 : vector<8x2048xf32>
    %lt3A_545 = arith.cmpf olt, %sub3A_544, %min3A_535 : vector<8x2048xf32>
    %min3A_546 = arith.minimumf %min3A_535, %sub3A_544 : vector<8x2048xf32>
    %broadcast_in_dim3A_547 = arith.constant 4.700000e+01 : f32
    %broadcast_in_dim3A_548 = vector.broadcast %broadcast_in_dim3A_547 : f32 to vector<8x2048xf32>
    %select_n3A_549 = arith.select %lt3A_545, %broadcast_in_dim3A_548, %select_n3A_538 : vector<8x2048xi1>, vector<8x2048xf32>
    %get3A_550 = arith.constant 384 : index
    %get3A_551 = arith.constant 0 : index
    %get3A_552 = vector.load %arg7[%get3A_550, %get3A_551] : memref<1024x64xf32, #tpu.memory_space<vmem>>, vector<128x64xf32>
    %dot_general3A_553 = arith.constant dense<0.000000e+00> : vector<128x2048xf32>
    %dot_general3A_554 = tpu.matmul %get3A_552, %get3A_1, %dot_general3A_553 {dimension_numbers = #tpu.dot_dimension_numbers<[1], [1], [0], [0], [0, 0, 1, 0], [], []>, transpose_lhs_hint = false} : vector<128x64xf32>, vector<2048x64xf32>, vector<128x2048xf32> -> vector<128x2048xf32>
    %slice3A_555 = vector.extract_strided_slice %dot_general3A_554 {offsets = [0, 0], sizes = [8, 2048], strides = [1, 1]} : vector<128x2048xf32> to vector<8x2048xf32>
    %get3A_556 = arith.constant 384 : index
    %get3A_557 = arith.constant 0 : index
    %get3A_558 = vector.load %arg6[%get3A_556, %get3A_557] : memref<1024x2048xf32, #tpu.memory_space<vmem>>, vector<8x2048xf32>
    %add3A_559 = arith.addf %broadcast_in_dim3A_9, %get3A_558 : vector<8x2048xf32>
    %sub3A_560 = arith.subf %add3A_559, %slice3A_555 : vector<8x2048xf32>
    %lt3A_561 = arith.cmpf olt, %sub3A_560, %min3A_546 : vector<8x2048xf32>
    %min3A_562 = arith.minimumf %min3A_546, %sub3A_560 : vector<8x2048xf32>
    %broadcast_in_dim3A_563 = arith.constant 4.800000e+01 : f32
    %broadcast_in_dim3A_564 = vector.broadcast %broadcast_in_dim3A_563 : f32 to vector<8x2048xf32>
    %select_n3A_565 = arith.select %lt3A_561, %broadcast_in_dim3A_564, %select_n3A_549 : vector<8x2048xi1>, vector<8x2048xf32>
    %slice3A_566 = vector.extract_strided_slice %dot_general3A_554 {offsets = [8, 0], sizes = [8, 2048], strides = [1, 1]} : vector<128x2048xf32> to vector<8x2048xf32>
    %get3A_567 = arith.constant 392 : index
    %get3A_568 = arith.constant 0 : index
    %get3A_569 = vector.load %arg6[%get3A_567, %get3A_568] : memref<1024x2048xf32, #tpu.memory_space<vmem>>, vector<8x2048xf32>
    %add3A_570 = arith.addf %broadcast_in_dim3A_9, %get3A_569 : vector<8x2048xf32>
    %sub3A_571 = arith.subf %add3A_570, %slice3A_566 : vector<8x2048xf32>
    %lt3A_572 = arith.cmpf olt, %sub3A_571, %min3A_562 : vector<8x2048xf32>
    %min3A_573 = arith.minimumf %min3A_562, %sub3A_571 : vector<8x2048xf32>
    %broadcast_in_dim3A_574 = arith.constant 4.900000e+01 : f32
    %broadcast_in_dim3A_575 = vector.broadcast %broadcast_in_dim3A_574 : f32 to vector<8x2048xf32>
    %select_n3A_576 = arith.select %lt3A_572, %broadcast_in_dim3A_575, %select_n3A_565 : vector<8x2048xi1>, vector<8x2048xf32>
    %slice3A_577 = vector.extract_strided_slice %dot_general3A_554 {offsets = [16, 0], sizes = [8, 2048], strides = [1, 1]} : vector<128x2048xf32> to vector<8x2048xf32>
    %get3A_578 = arith.constant 400 : index
    %get3A_579 = arith.constant 0 : index
    %get3A_580 = vector.load %arg6[%get3A_578, %get3A_579] : memref<1024x2048xf32, #tpu.memory_space<vmem>>, vector<8x2048xf32>
    %add3A_581 = arith.addf %broadcast_in_dim3A_9, %get3A_580 : vector<8x2048xf32>
    %sub3A_582 = arith.subf %add3A_581, %slice3A_577 : vector<8x2048xf32>
    %lt3A_583 = arith.cmpf olt, %sub3A_582, %min3A_573 : vector<8x2048xf32>
    %min3A_584 = arith.minimumf %min3A_573, %sub3A_582 : vector<8x2048xf32>
    %broadcast_in_dim3A_585 = arith.constant 5.000000e+01 : f32
    %broadcast_in_dim3A_586 = vector.broadcast %broadcast_in_dim3A_585 : f32 to vector<8x2048xf32>
    %select_n3A_587 = arith.select %lt3A_583, %broadcast_in_dim3A_586, %select_n3A_576 : vector<8x2048xi1>, vector<8x2048xf32>
    %slice3A_588 = vector.extract_strided_slice %dot_general3A_554 {offsets = [24, 0], sizes = [8, 2048], strides = [1, 1]} : vector<128x2048xf32> to vector<8x2048xf32>
    %get3A_589 = arith.constant 408 : index
    %get3A_590 = arith.constant 0 : index
    %get3A_591 = vector.load %arg6[%get3A_589, %get3A_590] : memref<1024x2048xf32, #tpu.memory_space<vmem>>, vector<8x2048xf32>
    %add3A_592 = arith.addf %broadcast_in_dim3A_9, %get3A_591 : vector<8x2048xf32>
    %sub3A_593 = arith.subf %add3A_592, %slice3A_588 : vector<8x2048xf32>
    %lt3A_594 = arith.cmpf olt, %sub3A_593, %min3A_584 : vector<8x2048xf32>
    %min3A_595 = arith.minimumf %min3A_584, %sub3A_593 : vector<8x2048xf32>
    %broadcast_in_dim3A_596 = arith.constant 5.100000e+01 : f32
    %broadcast_in_dim3A_597 = vector.broadcast %broadcast_in_dim3A_596 : f32 to vector<8x2048xf32>
    %select_n3A_598 = arith.select %lt3A_594, %broadcast_in_dim3A_597, %select_n3A_587 : vector<8x2048xi1>, vector<8x2048xf32>
    %slice3A_599 = vector.extract_strided_slice %dot_general3A_554 {offsets = [32, 0], sizes = [8, 2048], strides = [1, 1]} : vector<128x2048xf32> to vector<8x2048xf32>
    %get3A_600 = arith.constant 416 : index
    %get3A_601 = arith.constant 0 : index
    %get3A_602 = vector.load %arg6[%get3A_600, %get3A_601] : memref<1024x2048xf32, #tpu.memory_space<vmem>>, vector<8x2048xf32>
    %add3A_603 = arith.addf %broadcast_in_dim3A_9, %get3A_602 : vector<8x2048xf32>
    %sub3A_604 = arith.subf %add3A_603, %slice3A_599 : vector<8x2048xf32>
    %lt3A_605 = arith.cmpf olt, %sub3A_604, %min3A_595 : vector<8x2048xf32>
    %min3A_606 = arith.minimumf %min3A_595, %sub3A_604 : vector<8x2048xf32>
    %broadcast_in_dim3A_607 = arith.constant 5.200000e+01 : f32
    %broadcast_in_dim3A_608 = vector.broadcast %broadcast_in_dim3A_607 : f32 to vector<8x2048xf32>
    %select_n3A_609 = arith.select %lt3A_605, %broadcast_in_dim3A_608, %select_n3A_598 : vector<8x2048xi1>, vector<8x2048xf32>
    %slice3A_610 = vector.extract_strided_slice %dot_general3A_554 {offsets = [40, 0], sizes = [8, 2048], strides = [1, 1]} : vector<128x2048xf32> to vector<8x2048xf32>
    %get3A_611 = arith.constant 424 : index
    %get3A_612 = arith.constant 0 : index
    %get3A_613 = vector.load %arg6[%get3A_611, %get3A_612] : memref<1024x2048xf32, #tpu.memory_space<vmem>>, vector<8x2048xf32>
    %add3A_614 = arith.addf %broadcast_in_dim3A_9, %get3A_613 : vector<8x2048xf32>
    %sub3A_615 = arith.subf %add3A_614, %slice3A_610 : vector<8x2048xf32>
    %lt3A_616 = arith.cmpf olt, %sub3A_615, %min3A_606 : vector<8x2048xf32>
    %min3A_617 = arith.minimumf %min3A_606, %sub3A_615 : vector<8x2048xf32>
    %broadcast_in_dim3A_618 = arith.constant 5.300000e+01 : f32
    %broadcast_in_dim3A_619 = vector.broadcast %broadcast_in_dim3A_618 : f32 to vector<8x2048xf32>
    %select_n3A_620 = arith.select %lt3A_616, %broadcast_in_dim3A_619, %select_n3A_609 : vector<8x2048xi1>, vector<8x2048xf32>
    %slice3A_621 = vector.extract_strided_slice %dot_general3A_554 {offsets = [48, 0], sizes = [8, 2048], strides = [1, 1]} : vector<128x2048xf32> to vector<8x2048xf32>
    %get3A_622 = arith.constant 432 : index
    %get3A_623 = arith.constant 0 : index
    %get3A_624 = vector.load %arg6[%get3A_622, %get3A_623] : memref<1024x2048xf32, #tpu.memory_space<vmem>>, vector<8x2048xf32>
    %add3A_625 = arith.addf %broadcast_in_dim3A_9, %get3A_624 : vector<8x2048xf32>
    %sub3A_626 = arith.subf %add3A_625, %slice3A_621 : vector<8x2048xf32>
    %lt3A_627 = arith.cmpf olt, %sub3A_626, %min3A_617 : vector<8x2048xf32>
    %min3A_628 = arith.minimumf %min3A_617, %sub3A_626 : vector<8x2048xf32>
    %broadcast_in_dim3A_629 = arith.constant 5.400000e+01 : f32
    %broadcast_in_dim3A_630 = vector.broadcast %broadcast_in_dim3A_629 : f32 to vector<8x2048xf32>
    %select_n3A_631 = arith.select %lt3A_627, %broadcast_in_dim3A_630, %select_n3A_620 : vector<8x2048xi1>, vector<8x2048xf32>
    %slice3A_632 = vector.extract_strided_slice %dot_general3A_554 {offsets = [56, 0], sizes = [8, 2048], strides = [1, 1]} : vector<128x2048xf32> to vector<8x2048xf32>
    %get3A_633 = arith.constant 440 : index
    %get3A_634 = arith.constant 0 : index
    %get3A_635 = vector.load %arg6[%get3A_633, %get3A_634] : memref<1024x2048xf32, #tpu.memory_space<vmem>>, vector<8x2048xf32>
    %add3A_636 = arith.addf %broadcast_in_dim3A_9, %get3A_635 : vector<8x2048xf32>
    %sub3A_637 = arith.subf %add3A_636, %slice3A_632 : vector<8x2048xf32>
    %lt3A_638 = arith.cmpf olt, %sub3A_637, %min3A_628 : vector<8x2048xf32>
    %min3A_639 = arith.minimumf %min3A_628, %sub3A_637 : vector<8x2048xf32>
    %broadcast_in_dim3A_640 = arith.constant 5.500000e+01 : f32
    %broadcast_in_dim3A_641 = vector.broadcast %broadcast_in_dim3A_640 : f32 to vector<8x2048xf32>
    %select_n3A_642 = arith.select %lt3A_638, %broadcast_in_dim3A_641, %select_n3A_631 : vector<8x2048xi1>, vector<8x2048xf32>
    %slice3A_643 = vector.extract_strided_slice %dot_general3A_554 {offsets = [64, 0], sizes = [8, 2048], strides = [1, 1]} : vector<128x2048xf32> to vector<8x2048xf32>
    %get3A_644 = arith.constant 448 : index
    %get3A_645 = arith.constant 0 : index
    %get3A_646 = vector.load %arg6[%get3A_644, %get3A_645] : memref<1024x2048xf32, #tpu.memory_space<vmem>>, vector<8x2048xf32>
    %add3A_647 = arith.addf %broadcast_in_dim3A_9, %get3A_646 : vector<8x2048xf32>
    %sub3A_648 = arith.subf %add3A_647, %slice3A_643 : vector<8x2048xf32>
    %lt3A_649 = arith.cmpf olt, %sub3A_648, %min3A_639 : vector<8x2048xf32>
    %min3A_650 = arith.minimumf %min3A_639, %sub3A_648 : vector<8x2048xf32>
    %broadcast_in_dim3A_651 = arith.constant 5.600000e+01 : f32
    %broadcast_in_dim3A_652 = vector.broadcast %broadcast_in_dim3A_651 : f32 to vector<8x2048xf32>
    %select_n3A_653 = arith.select %lt3A_649, %broadcast_in_dim3A_652, %select_n3A_642 : vector<8x2048xi1>, vector<8x2048xf32>
    %slice3A_654 = vector.extract_strided_slice %dot_general3A_554 {offsets = [72, 0], sizes = [8, 2048], strides = [1, 1]} : vector<128x2048xf32> to vector<8x2048xf32>
    %get3A_655 = arith.constant 456 : index
    %get3A_656 = arith.constant 0 : index
    %get3A_657 = vector.load %arg6[%get3A_655, %get3A_656] : memref<1024x2048xf32, #tpu.memory_space<vmem>>, vector<8x2048xf32>
    %add3A_658 = arith.addf %broadcast_in_dim3A_9, %get3A_657 : vector<8x2048xf32>
    %sub3A_659 = arith.subf %add3A_658, %slice3A_654 : vector<8x2048xf32>
    %lt3A_660 = arith.cmpf olt, %sub3A_659, %min3A_650 : vector<8x2048xf32>
    %min3A_661 = arith.minimumf %min3A_650, %sub3A_659 : vector<8x2048xf32>
    %broadcast_in_dim3A_662 = arith.constant 5.700000e+01 : f32
    %broadcast_in_dim3A_663 = vector.broadcast %broadcast_in_dim3A_662 : f32 to vector<8x2048xf32>
    %select_n3A_664 = arith.select %lt3A_660, %broadcast_in_dim3A_663, %select_n3A_653 : vector<8x2048xi1>, vector<8x2048xf32>
    %slice3A_665 = vector.extract_strided_slice %dot_general3A_554 {offsets = [80, 0], sizes = [8, 2048], strides = [1, 1]} : vector<128x2048xf32> to vector<8x2048xf32>
    %get3A_666 = arith.constant 464 : index
    %get3A_667 = arith.constant 0 : index
    %get3A_668 = vector.load %arg6[%get3A_666, %get3A_667] : memref<1024x2048xf32, #tpu.memory_space<vmem>>, vector<8x2048xf32>
    %add3A_669 = arith.addf %broadcast_in_dim3A_9, %get3A_668 : vector<8x2048xf32>
    %sub3A_670 = arith.subf %add3A_669, %slice3A_665 : vector<8x2048xf32>
    %lt3A_671 = arith.cmpf olt, %sub3A_670, %min3A_661 : vector<8x2048xf32>
    %min3A_672 = arith.minimumf %min3A_661, %sub3A_670 : vector<8x2048xf32>
    %broadcast_in_dim3A_673 = arith.constant 5.800000e+01 : f32
    %broadcast_in_dim3A_674 = vector.broadcast %broadcast_in_dim3A_673 : f32 to vector<8x2048xf32>
    %select_n3A_675 = arith.select %lt3A_671, %broadcast_in_dim3A_674, %select_n3A_664 : vector<8x2048xi1>, vector<8x2048xf32>
    %slice3A_676 = vector.extract_strided_slice %dot_general3A_554 {offsets = [88, 0], sizes = [8, 2048], strides = [1, 1]} : vector<128x2048xf32> to vector<8x2048xf32>
    %get3A_677 = arith.constant 472 : index
    %get3A_678 = arith.constant 0 : index
    %get3A_679 = vector.load %arg6[%get3A_677, %get3A_678] : memref<1024x2048xf32, #tpu.memory_space<vmem>>, vector<8x2048xf32>
    %add3A_680 = arith.addf %broadcast_in_dim3A_9, %get3A_679 : vector<8x2048xf32>
    %sub3A_681 = arith.subf %add3A_680, %slice3A_676 : vector<8x2048xf32>
    %lt3A_682 = arith.cmpf olt, %sub3A_681, %min3A_672 : vector<8x2048xf32>
    %min3A_683 = arith.minimumf %min3A_672, %sub3A_681 : vector<8x2048xf32>
    %broadcast_in_dim3A_684 = arith.constant 5.900000e+01 : f32
    %broadcast_in_dim3A_685 = vector.broadcast %broadcast_in_dim3A_684 : f32 to vector<8x2048xf32>
    %select_n3A_686 = arith.select %lt3A_682, %broadcast_in_dim3A_685, %select_n3A_675 : vector<8x2048xi1>, vector<8x2048xf32>
    %slice3A_687 = vector.extract_strided_slice %dot_general3A_554 {offsets = [96, 0], sizes = [8, 2048], strides = [1, 1]} : vector<128x2048xf32> to vector<8x2048xf32>
    %get3A_688 = arith.constant 480 : index
    %get3A_689 = arith.constant 0 : index
    %get3A_690 = vector.load %arg6[%get3A_688, %get3A_689] : memref<1024x2048xf32, #tpu.memory_space<vmem>>, vector<8x2048xf32>
    %add3A_691 = arith.addf %broadcast_in_dim3A_9, %get3A_690 : vector<8x2048xf32>
    %sub3A_692 = arith.subf %add3A_691, %slice3A_687 : vector<8x2048xf32>
    %lt3A_693 = arith.cmpf olt, %sub3A_692, %min3A_683 : vector<8x2048xf32>
    %min3A_694 = arith.minimumf %min3A_683, %sub3A_692 : vector<8x2048xf32>
    %broadcast_in_dim3A_695 = arith.constant 6.000000e+01 : f32
    %broadcast_in_dim3A_696 = vector.broadcast %broadcast_in_dim3A_695 : f32 to vector<8x2048xf32>
    %select_n3A_697 = arith.select %lt3A_693, %broadcast_in_dim3A_696, %select_n3A_686 : vector<8x2048xi1>, vector<8x2048xf32>
    %slice3A_698 = vector.extract_strided_slice %dot_general3A_554 {offsets = [104, 0], sizes = [8, 2048], strides = [1, 1]} : vector<128x2048xf32> to vector<8x2048xf32>
    %get3A_699 = arith.constant 488 : index
    %get3A_700 = arith.constant 0 : index
    %get3A_701 = vector.load %arg6[%get3A_699, %get3A_700] : memref<1024x2048xf32, #tpu.memory_space<vmem>>, vector<8x2048xf32>
    %add3A_702 = arith.addf %broadcast_in_dim3A_9, %get3A_701 : vector<8x2048xf32>
    %sub3A_703 = arith.subf %add3A_702, %slice3A_698 : vector<8x2048xf32>
    %lt3A_704 = arith.cmpf olt, %sub3A_703, %min3A_694 : vector<8x2048xf32>
    %min3A_705 = arith.minimumf %min3A_694, %sub3A_703 : vector<8x2048xf32>
    %broadcast_in_dim3A_706 = arith.constant 6.100000e+01 : f32
    %broadcast_in_dim3A_707 = vector.broadcast %broadcast_in_dim3A_706 : f32 to vector<8x2048xf32>
    %select_n3A_708 = arith.select %lt3A_704, %broadcast_in_dim3A_707, %select_n3A_697 : vector<8x2048xi1>, vector<8x2048xf32>
    %slice3A_709 = vector.extract_strided_slice %dot_general3A_554 {offsets = [112, 0], sizes = [8, 2048], strides = [1, 1]} : vector<128x2048xf32> to vector<8x2048xf32>
    %get3A_710 = arith.constant 496 : index
    %get3A_711 = arith.constant 0 : index
    %get3A_712 = vector.load %arg6[%get3A_710, %get3A_711] : memref<1024x2048xf32, #tpu.memory_space<vmem>>, vector<8x2048xf32>
    %add3A_713 = arith.addf %broadcast_in_dim3A_9, %get3A_712 : vector<8x2048xf32>
    %sub3A_714 = arith.subf %add3A_713, %slice3A_709 : vector<8x2048xf32>
    %lt3A_715 = arith.cmpf olt, %sub3A_714, %min3A_705 : vector<8x2048xf32>
    %min3A_716 = arith.minimumf %min3A_705, %sub3A_714 : vector<8x2048xf32>
    %broadcast_in_dim3A_717 = arith.constant 6.200000e+01 : f32
    %broadcast_in_dim3A_718 = vector.broadcast %broadcast_in_dim3A_717 : f32 to vector<8x2048xf32>
    %select_n3A_719 = arith.select %lt3A_715, %broadcast_in_dim3A_718, %select_n3A_708 : vector<8x2048xi1>, vector<8x2048xf32>
    %slice3A_720 = vector.extract_strided_slice %dot_general3A_554 {offsets = [120, 0], sizes = [8, 2048], strides = [1, 1]} : vector<128x2048xf32> to vector<8x2048xf32>
    %get3A_721 = arith.constant 504 : index
    %get3A_722 = arith.constant 0 : index
    %get3A_723 = vector.load %arg6[%get3A_721, %get3A_722] : memref<1024x2048xf32, #tpu.memory_space<vmem>>, vector<8x2048xf32>
    %add3A_724 = arith.addf %broadcast_in_dim3A_9, %get3A_723 : vector<8x2048xf32>
    %sub3A_725 = arith.subf %add3A_724, %slice3A_720 : vector<8x2048xf32>
    %lt3A_726 = arith.cmpf olt, %sub3A_725, %min3A_716 : vector<8x2048xf32>
    %min3A_727 = arith.minimumf %min3A_716, %sub3A_725 : vector<8x2048xf32>
    %broadcast_in_dim3A_728 = arith.constant 6.300000e+01 : f32
    %broadcast_in_dim3A_729 = vector.broadcast %broadcast_in_dim3A_728 : f32 to vector<8x2048xf32>
    %select_n3A_730 = arith.select %lt3A_726, %broadcast_in_dim3A_729, %select_n3A_719 : vector<8x2048xi1>, vector<8x2048xf32>
    %get3A_731 = arith.constant 512 : index
    %get3A_732 = arith.constant 0 : index
    %get3A_733 = vector.load %arg7[%get3A_731, %get3A_732] : memref<1024x64xf32, #tpu.memory_space<vmem>>, vector<128x64xf32>
    %dot_general3A_734 = arith.constant dense<0.000000e+00> : vector<128x2048xf32>
    %dot_general3A_735 = tpu.matmul %get3A_733, %get3A_1, %dot_general3A_734 {dimension_numbers = #tpu.dot_dimension_numbers<[1], [1], [0], [0], [0, 0, 1, 0], [], []>, transpose_lhs_hint = false} : vector<128x64xf32>, vector<2048x64xf32>, vector<128x2048xf32> -> vector<128x2048xf32>
    %slice3A_736 = vector.extract_strided_slice %dot_general3A_735 {offsets = [0, 0], sizes = [8, 2048], strides = [1, 1]} : vector<128x2048xf32> to vector<8x2048xf32>
    %get3A_737 = arith.constant 512 : index
    %get3A_738 = arith.constant 0 : index
    %get3A_739 = vector.load %arg6[%get3A_737, %get3A_738] : memref<1024x2048xf32, #tpu.memory_space<vmem>>, vector<8x2048xf32>
    %add3A_740 = arith.addf %broadcast_in_dim3A_9, %get3A_739 : vector<8x2048xf32>
    %sub3A_741 = arith.subf %add3A_740, %slice3A_736 : vector<8x2048xf32>
    %lt3A_742 = arith.cmpf olt, %sub3A_741, %min3A_727 : vector<8x2048xf32>
    %min3A_743 = arith.minimumf %min3A_727, %sub3A_741 : vector<8x2048xf32>
    %broadcast_in_dim3A_744 = arith.constant 6.400000e+01 : f32
    %broadcast_in_dim3A_745 = vector.broadcast %broadcast_in_dim3A_744 : f32 to vector<8x2048xf32>
    %select_n3A_746 = arith.select %lt3A_742, %broadcast_in_dim3A_745, %select_n3A_730 : vector<8x2048xi1>, vector<8x2048xf32>
    %slice3A_747 = vector.extract_strided_slice %dot_general3A_735 {offsets = [8, 0], sizes = [8, 2048], strides = [1, 1]} : vector<128x2048xf32> to vector<8x2048xf32>
    %get3A_748 = arith.constant 520 : index
    %get3A_749 = arith.constant 0 : index
    %get3A_750 = vector.load %arg6[%get3A_748, %get3A_749] : memref<1024x2048xf32, #tpu.memory_space<vmem>>, vector<8x2048xf32>
    %add3A_751 = arith.addf %broadcast_in_dim3A_9, %get3A_750 : vector<8x2048xf32>
    %sub3A_752 = arith.subf %add3A_751, %slice3A_747 : vector<8x2048xf32>
    %lt3A_753 = arith.cmpf olt, %sub3A_752, %min3A_743 : vector<8x2048xf32>
    %min3A_754 = arith.minimumf %min3A_743, %sub3A_752 : vector<8x2048xf32>
    %broadcast_in_dim3A_755 = arith.constant 6.500000e+01 : f32
    %broadcast_in_dim3A_756 = vector.broadcast %broadcast_in_dim3A_755 : f32 to vector<8x2048xf32>
    %select_n3A_757 = arith.select %lt3A_753, %broadcast_in_dim3A_756, %select_n3A_746 : vector<8x2048xi1>, vector<8x2048xf32>
    %slice3A_758 = vector.extract_strided_slice %dot_general3A_735 {offsets = [16, 0], sizes = [8, 2048], strides = [1, 1]} : vector<128x2048xf32> to vector<8x2048xf32>
    %get3A_759 = arith.constant 528 : index
    %get3A_760 = arith.constant 0 : index
    %get3A_761 = vector.load %arg6[%get3A_759, %get3A_760] : memref<1024x2048xf32, #tpu.memory_space<vmem>>, vector<8x2048xf32>
    %add3A_762 = arith.addf %broadcast_in_dim3A_9, %get3A_761 : vector<8x2048xf32>
    %sub3A_763 = arith.subf %add3A_762, %slice3A_758 : vector<8x2048xf32>
    %lt3A_764 = arith.cmpf olt, %sub3A_763, %min3A_754 : vector<8x2048xf32>
    %min3A_765 = arith.minimumf %min3A_754, %sub3A_763 : vector<8x2048xf32>
    %broadcast_in_dim3A_766 = arith.constant 6.600000e+01 : f32
    %broadcast_in_dim3A_767 = vector.broadcast %broadcast_in_dim3A_766 : f32 to vector<8x2048xf32>
    %select_n3A_768 = arith.select %lt3A_764, %broadcast_in_dim3A_767, %select_n3A_757 : vector<8x2048xi1>, vector<8x2048xf32>
    %slice3A_769 = vector.extract_strided_slice %dot_general3A_735 {offsets = [24, 0], sizes = [8, 2048], strides = [1, 1]} : vector<128x2048xf32> to vector<8x2048xf32>
    %get3A_770 = arith.constant 536 : index
    %get3A_771 = arith.constant 0 : index
    %get3A_772 = vector.load %arg6[%get3A_770, %get3A_771] : memref<1024x2048xf32, #tpu.memory_space<vmem>>, vector<8x2048xf32>
    %add3A_773 = arith.addf %broadcast_in_dim3A_9, %get3A_772 : vector<8x2048xf32>
    %sub3A_774 = arith.subf %add3A_773, %slice3A_769 : vector<8x2048xf32>
    %lt3A_775 = arith.cmpf olt, %sub3A_774, %min3A_765 : vector<8x2048xf32>
    %min3A_776 = arith.minimumf %min3A_765, %sub3A_774 : vector<8x2048xf32>
    %broadcast_in_dim3A_777 = arith.constant 6.700000e+01 : f32
    %broadcast_in_dim3A_778 = vector.broadcast %broadcast_in_dim3A_777 : f32 to vector<8x2048xf32>
    %select_n3A_779 = arith.select %lt3A_775, %broadcast_in_dim3A_778, %select_n3A_768 : vector<8x2048xi1>, vector<8x2048xf32>
    %slice3A_780 = vector.extract_strided_slice %dot_general3A_735 {offsets = [32, 0], sizes = [8, 2048], strides = [1, 1]} : vector<128x2048xf32> to vector<8x2048xf32>
    %get3A_781 = arith.constant 544 : index
    %get3A_782 = arith.constant 0 : index
    %get3A_783 = vector.load %arg6[%get3A_781, %get3A_782] : memref<1024x2048xf32, #tpu.memory_space<vmem>>, vector<8x2048xf32>
    %add3A_784 = arith.addf %broadcast_in_dim3A_9, %get3A_783 : vector<8x2048xf32>
    %sub3A_785 = arith.subf %add3A_784, %slice3A_780 : vector<8x2048xf32>
    %lt3A_786 = arith.cmpf olt, %sub3A_785, %min3A_776 : vector<8x2048xf32>
    %min3A_787 = arith.minimumf %min3A_776, %sub3A_785 : vector<8x2048xf32>
    %broadcast_in_dim3A_788 = arith.constant 6.800000e+01 : f32
    %broadcast_in_dim3A_789 = vector.broadcast %broadcast_in_dim3A_788 : f32 to vector<8x2048xf32>
    %select_n3A_790 = arith.select %lt3A_786, %broadcast_in_dim3A_789, %select_n3A_779 : vector<8x2048xi1>, vector<8x2048xf32>
    %slice3A_791 = vector.extract_strided_slice %dot_general3A_735 {offsets = [40, 0], sizes = [8, 2048], strides = [1, 1]} : vector<128x2048xf32> to vector<8x2048xf32>
    %get3A_792 = arith.constant 552 : index
    %get3A_793 = arith.constant 0 : index
    %get3A_794 = vector.load %arg6[%get3A_792, %get3A_793] : memref<1024x2048xf32, #tpu.memory_space<vmem>>, vector<8x2048xf32>
    %add3A_795 = arith.addf %broadcast_in_dim3A_9, %get3A_794 : vector<8x2048xf32>
    %sub3A_796 = arith.subf %add3A_795, %slice3A_791 : vector<8x2048xf32>
    %lt3A_797 = arith.cmpf olt, %sub3A_796, %min3A_787 : vector<8x2048xf32>
    %min3A_798 = arith.minimumf %min3A_787, %sub3A_796 : vector<8x2048xf32>
    %broadcast_in_dim3A_799 = arith.constant 6.900000e+01 : f32
    %broadcast_in_dim3A_800 = vector.broadcast %broadcast_in_dim3A_799 : f32 to vector<8x2048xf32>
    %select_n3A_801 = arith.select %lt3A_797, %broadcast_in_dim3A_800, %select_n3A_790 : vector<8x2048xi1>, vector<8x2048xf32>
    %slice3A_802 = vector.extract_strided_slice %dot_general3A_735 {offsets = [48, 0], sizes = [8, 2048], strides = [1, 1]} : vector<128x2048xf32> to vector<8x2048xf32>
    %get3A_803 = arith.constant 560 : index
    %get3A_804 = arith.constant 0 : index
    %get3A_805 = vector.load %arg6[%get3A_803, %get3A_804] : memref<1024x2048xf32, #tpu.memory_space<vmem>>, vector<8x2048xf32>
    %add3A_806 = arith.addf %broadcast_in_dim3A_9, %get3A_805 : vector<8x2048xf32>
    %sub3A_807 = arith.subf %add3A_806, %slice3A_802 : vector<8x2048xf32>
    %lt3A_808 = arith.cmpf olt, %sub3A_807, %min3A_798 : vector<8x2048xf32>
    %min3A_809 = arith.minimumf %min3A_798, %sub3A_807 : vector<8x2048xf32>
    %broadcast_in_dim3A_810 = arith.constant 7.000000e+01 : f32
    %broadcast_in_dim3A_811 = vector.broadcast %broadcast_in_dim3A_810 : f32 to vector<8x2048xf32>
    %select_n3A_812 = arith.select %lt3A_808, %broadcast_in_dim3A_811, %select_n3A_801 : vector<8x2048xi1>, vector<8x2048xf32>
    %slice3A_813 = vector.extract_strided_slice %dot_general3A_735 {offsets = [56, 0], sizes = [8, 2048], strides = [1, 1]} : vector<128x2048xf32> to vector<8x2048xf32>
    %get3A_814 = arith.constant 568 : index
    %get3A_815 = arith.constant 0 : index
    %get3A_816 = vector.load %arg6[%get3A_814, %get3A_815] : memref<1024x2048xf32, #tpu.memory_space<vmem>>, vector<8x2048xf32>
    %add3A_817 = arith.addf %broadcast_in_dim3A_9, %get3A_816 : vector<8x2048xf32>
    %sub3A_818 = arith.subf %add3A_817, %slice3A_813 : vector<8x2048xf32>
    %lt3A_819 = arith.cmpf olt, %sub3A_818, %min3A_809 : vector<8x2048xf32>
    %min3A_820 = arith.minimumf %min3A_809, %sub3A_818 : vector<8x2048xf32>
    %broadcast_in_dim3A_821 = arith.constant 7.100000e+01 : f32
    %broadcast_in_dim3A_822 = vector.broadcast %broadcast_in_dim3A_821 : f32 to vector<8x2048xf32>
    %select_n3A_823 = arith.select %lt3A_819, %broadcast_in_dim3A_822, %select_n3A_812 : vector<8x2048xi1>, vector<8x2048xf32>
    %slice3A_824 = vector.extract_strided_slice %dot_general3A_735 {offsets = [64, 0], sizes = [8, 2048], strides = [1, 1]} : vector<128x2048xf32> to vector<8x2048xf32>
    %get3A_825 = arith.constant 576 : index
    %get3A_826 = arith.constant 0 : index
    %get3A_827 = vector.load %arg6[%get3A_825, %get3A_826] : memref<1024x2048xf32, #tpu.memory_space<vmem>>, vector<8x2048xf32>
    %add3A_828 = arith.addf %broadcast_in_dim3A_9, %get3A_827 : vector<8x2048xf32>
    %sub3A_829 = arith.subf %add3A_828, %slice3A_824 : vector<8x2048xf32>
    %lt3A_830 = arith.cmpf olt, %sub3A_829, %min3A_820 : vector<8x2048xf32>
    %min3A_831 = arith.minimumf %min3A_820, %sub3A_829 : vector<8x2048xf32>
    %broadcast_in_dim3A_832 = arith.constant 7.200000e+01 : f32
    %broadcast_in_dim3A_833 = vector.broadcast %broadcast_in_dim3A_832 : f32 to vector<8x2048xf32>
    %select_n3A_834 = arith.select %lt3A_830, %broadcast_in_dim3A_833, %select_n3A_823 : vector<8x2048xi1>, vector<8x2048xf32>
    %slice3A_835 = vector.extract_strided_slice %dot_general3A_735 {offsets = [72, 0], sizes = [8, 2048], strides = [1, 1]} : vector<128x2048xf32> to vector<8x2048xf32>
    %get3A_836 = arith.constant 584 : index
    %get3A_837 = arith.constant 0 : index
    %get3A_838 = vector.load %arg6[%get3A_836, %get3A_837] : memref<1024x2048xf32, #tpu.memory_space<vmem>>, vector<8x2048xf32>
    %add3A_839 = arith.addf %broadcast_in_dim3A_9, %get3A_838 : vector<8x2048xf32>
    %sub3A_840 = arith.subf %add3A_839, %slice3A_835 : vector<8x2048xf32>
    %lt3A_841 = arith.cmpf olt, %sub3A_840, %min3A_831 : vector<8x2048xf32>
    %min3A_842 = arith.minimumf %min3A_831, %sub3A_840 : vector<8x2048xf32>
    %broadcast_in_dim3A_843 = arith.constant 7.300000e+01 : f32
    %broadcast_in_dim3A_844 = vector.broadcast %broadcast_in_dim3A_843 : f32 to vector<8x2048xf32>
    %select_n3A_845 = arith.select %lt3A_841, %broadcast_in_dim3A_844, %select_n3A_834 : vector<8x2048xi1>, vector<8x2048xf32>
    %slice3A_846 = vector.extract_strided_slice %dot_general3A_735 {offsets = [80, 0], sizes = [8, 2048], strides = [1, 1]} : vector<128x2048xf32> to vector<8x2048xf32>
    %get3A_847 = arith.constant 592 : index
    %get3A_848 = arith.constant 0 : index
    %get3A_849 = vector.load %arg6[%get3A_847, %get3A_848] : memref<1024x2048xf32, #tpu.memory_space<vmem>>, vector<8x2048xf32>
    %add3A_850 = arith.addf %broadcast_in_dim3A_9, %get3A_849 : vector<8x2048xf32>
    %sub3A_851 = arith.subf %add3A_850, %slice3A_846 : vector<8x2048xf32>
    %lt3A_852 = arith.cmpf olt, %sub3A_851, %min3A_842 : vector<8x2048xf32>
    %min3A_853 = arith.minimumf %min3A_842, %sub3A_851 : vector<8x2048xf32>
    %broadcast_in_dim3A_854 = arith.constant 7.400000e+01 : f32
    %broadcast_in_dim3A_855 = vector.broadcast %broadcast_in_dim3A_854 : f32 to vector<8x2048xf32>
    %select_n3A_856 = arith.select %lt3A_852, %broadcast_in_dim3A_855, %select_n3A_845 : vector<8x2048xi1>, vector<8x2048xf32>
    %slice3A_857 = vector.extract_strided_slice %dot_general3A_735 {offsets = [88, 0], sizes = [8, 2048], strides = [1, 1]} : vector<128x2048xf32> to vector<8x2048xf32>
    %get3A_858 = arith.constant 600 : index
    %get3A_859 = arith.constant 0 : index
    %get3A_860 = vector.load %arg6[%get3A_858, %get3A_859] : memref<1024x2048xf32, #tpu.memory_space<vmem>>, vector<8x2048xf32>
    %add3A_861 = arith.addf %broadcast_in_dim3A_9, %get3A_860 : vector<8x2048xf32>
    %sub3A_862 = arith.subf %add3A_861, %slice3A_857 : vector<8x2048xf32>
    %lt3A_863 = arith.cmpf olt, %sub3A_862, %min3A_853 : vector<8x2048xf32>
    %min3A_864 = arith.minimumf %min3A_853, %sub3A_862 : vector<8x2048xf32>
    %broadcast_in_dim3A_865 = arith.constant 7.500000e+01 : f32
    %broadcast_in_dim3A_866 = vector.broadcast %broadcast_in_dim3A_865 : f32 to vector<8x2048xf32>
    %select_n3A_867 = arith.select %lt3A_863, %broadcast_in_dim3A_866, %select_n3A_856 : vector<8x2048xi1>, vector<8x2048xf32>
    %slice3A_868 = vector.extract_strided_slice %dot_general3A_735 {offsets = [96, 0], sizes = [8, 2048], strides = [1, 1]} : vector<128x2048xf32> to vector<8x2048xf32>
    %get3A_869 = arith.constant 608 : index
    %get3A_870 = arith.constant 0 : index
    %get3A_871 = vector.load %arg6[%get3A_869, %get3A_870] : memref<1024x2048xf32, #tpu.memory_space<vmem>>, vector<8x2048xf32>
    %add3A_872 = arith.addf %broadcast_in_dim3A_9, %get3A_871 : vector<8x2048xf32>
    %sub3A_873 = arith.subf %add3A_872, %slice3A_868 : vector<8x2048xf32>
    %lt3A_874 = arith.cmpf olt, %sub3A_873, %min3A_864 : vector<8x2048xf32>
    %min3A_875 = arith.minimumf %min3A_864, %sub3A_873 : vector<8x2048xf32>
    %broadcast_in_dim3A_876 = arith.constant 7.600000e+01 : f32
    %broadcast_in_dim3A_877 = vector.broadcast %broadcast_in_dim3A_876 : f32 to vector<8x2048xf32>
    %select_n3A_878 = arith.select %lt3A_874, %broadcast_in_dim3A_877, %select_n3A_867 : vector<8x2048xi1>, vector<8x2048xf32>
    %slice3A_879 = vector.extract_strided_slice %dot_general3A_735 {offsets = [104, 0], sizes = [8, 2048], strides = [1, 1]} : vector<128x2048xf32> to vector<8x2048xf32>
    %get3A_880 = arith.constant 616 : index
    %get3A_881 = arith.constant 0 : index
    %get3A_882 = vector.load %arg6[%get3A_880, %get3A_881] : memref<1024x2048xf32, #tpu.memory_space<vmem>>, vector<8x2048xf32>
    %add3A_883 = arith.addf %broadcast_in_dim3A_9, %get3A_882 : vector<8x2048xf32>
    %sub3A_884 = arith.subf %add3A_883, %slice3A_879 : vector<8x2048xf32>
    %lt3A_885 = arith.cmpf olt, %sub3A_884, %min3A_875 : vector<8x2048xf32>
    %min3A_886 = arith.minimumf %min3A_875, %sub3A_884 : vector<8x2048xf32>
    %broadcast_in_dim3A_887 = arith.constant 7.700000e+01 : f32
    %broadcast_in_dim3A_888 = vector.broadcast %broadcast_in_dim3A_887 : f32 to vector<8x2048xf32>
    %select_n3A_889 = arith.select %lt3A_885, %broadcast_in_dim3A_888, %select_n3A_878 : vector<8x2048xi1>, vector<8x2048xf32>
    %slice3A_890 = vector.extract_strided_slice %dot_general3A_735 {offsets = [112, 0], sizes = [8, 2048], strides = [1, 1]} : vector<128x2048xf32> to vector<8x2048xf32>
    %get3A_891 = arith.constant 624 : index
    %get3A_892 = arith.constant 0 : index
    %get3A_893 = vector.load %arg6[%get3A_891, %get3A_892] : memref<1024x2048xf32, #tpu.memory_space<vmem>>, vector<8x2048xf32>
    %add3A_894 = arith.addf %broadcast_in_dim3A_9, %get3A_893 : vector<8x2048xf32>
    %sub3A_895 = arith.subf %add3A_894, %slice3A_890 : vector<8x2048xf32>
    %lt3A_896 = arith.cmpf olt, %sub3A_895, %min3A_886 : vector<8x2048xf32>
    %min3A_897 = arith.minimumf %min3A_886, %sub3A_895 : vector<8x2048xf32>
    %broadcast_in_dim3A_898 = arith.constant 7.800000e+01 : f32
    %broadcast_in_dim3A_899 = vector.broadcast %broadcast_in_dim3A_898 : f32 to vector<8x2048xf32>
    %select_n3A_900 = arith.select %lt3A_896, %broadcast_in_dim3A_899, %select_n3A_889 : vector<8x2048xi1>, vector<8x2048xf32>
    %slice3A_901 = vector.extract_strided_slice %dot_general3A_735 {offsets = [120, 0], sizes = [8, 2048], strides = [1, 1]} : vector<128x2048xf32> to vector<8x2048xf32>
    %get3A_902 = arith.constant 632 : index
    %get3A_903 = arith.constant 0 : index
    %get3A_904 = vector.load %arg6[%get3A_902, %get3A_903] : memref<1024x2048xf32, #tpu.memory_space<vmem>>, vector<8x2048xf32>
    %add3A_905 = arith.addf %broadcast_in_dim3A_9, %get3A_904 : vector<8x2048xf32>
    %sub3A_906 = arith.subf %add3A_905, %slice3A_901 : vector<8x2048xf32>
    %lt3A_907 = arith.cmpf olt, %sub3A_906, %min3A_897 : vector<8x2048xf32>
    %min3A_908 = arith.minimumf %min3A_897, %sub3A_906 : vector<8x2048xf32>
    %broadcast_in_dim3A_909 = arith.constant 7.900000e+01 : f32
    %broadcast_in_dim3A_910 = vector.broadcast %broadcast_in_dim3A_909 : f32 to vector<8x2048xf32>
    %select_n3A_911 = arith.select %lt3A_907, %broadcast_in_dim3A_910, %select_n3A_900 : vector<8x2048xi1>, vector<8x2048xf32>
    %get3A_912 = arith.constant 640 : index
    %get3A_913 = arith.constant 0 : index
    %get3A_914 = vector.load %arg7[%get3A_912, %get3A_913] : memref<1024x64xf32, #tpu.memory_space<vmem>>, vector<128x64xf32>
    %dot_general3A_915 = arith.constant dense<0.000000e+00> : vector<128x2048xf32>
    %dot_general3A_916 = tpu.matmul %get3A_914, %get3A_1, %dot_general3A_915 {dimension_numbers = #tpu.dot_dimension_numbers<[1], [1], [0], [0], [0, 0, 1, 0], [], []>, transpose_lhs_hint = false} : vector<128x64xf32>, vector<2048x64xf32>, vector<128x2048xf32> -> vector<128x2048xf32>
    %slice3A_917 = vector.extract_strided_slice %dot_general3A_916 {offsets = [0, 0], sizes = [8, 2048], strides = [1, 1]} : vector<128x2048xf32> to vector<8x2048xf32>
    %get3A_918 = arith.constant 640 : index
    %get3A_919 = arith.constant 0 : index
    %get3A_920 = vector.load %arg6[%get3A_918, %get3A_919] : memref<1024x2048xf32, #tpu.memory_space<vmem>>, vector<8x2048xf32>
    %add3A_921 = arith.addf %broadcast_in_dim3A_9, %get3A_920 : vector<8x2048xf32>
    %sub3A_922 = arith.subf %add3A_921, %slice3A_917 : vector<8x2048xf32>
    %lt3A_923 = arith.cmpf olt, %sub3A_922, %min3A_908 : vector<8x2048xf32>
    %min3A_924 = arith.minimumf %min3A_908, %sub3A_922 : vector<8x2048xf32>
    %broadcast_in_dim3A_925 = arith.constant 8.000000e+01 : f32
    %broadcast_in_dim3A_926 = vector.broadcast %broadcast_in_dim3A_925 : f32 to vector<8x2048xf32>
    %select_n3A_927 = arith.select %lt3A_923, %broadcast_in_dim3A_926, %select_n3A_911 : vector<8x2048xi1>, vector<8x2048xf32>
    %slice3A_928 = vector.extract_strided_slice %dot_general3A_916 {offsets = [8, 0], sizes = [8, 2048], strides = [1, 1]} : vector<128x2048xf32> to vector<8x2048xf32>
    %get3A_929 = arith.constant 648 : index
    %get3A_930 = arith.constant 0 : index
    %get3A_931 = vector.load %arg6[%get3A_929, %get3A_930] : memref<1024x2048xf32, #tpu.memory_space<vmem>>, vector<8x2048xf32>
    %add3A_932 = arith.addf %broadcast_in_dim3A_9, %get3A_931 : vector<8x2048xf32>
    %sub3A_933 = arith.subf %add3A_932, %slice3A_928 : vector<8x2048xf32>
    %lt3A_934 = arith.cmpf olt, %sub3A_933, %min3A_924 : vector<8x2048xf32>
    %min3A_935 = arith.minimumf %min3A_924, %sub3A_933 : vector<8x2048xf32>
    %broadcast_in_dim3A_936 = arith.constant 8.100000e+01 : f32
    %broadcast_in_dim3A_937 = vector.broadcast %broadcast_in_dim3A_936 : f32 to vector<8x2048xf32>
    %select_n3A_938 = arith.select %lt3A_934, %broadcast_in_dim3A_937, %select_n3A_927 : vector<8x2048xi1>, vector<8x2048xf32>
    %slice3A_939 = vector.extract_strided_slice %dot_general3A_916 {offsets = [16, 0], sizes = [8, 2048], strides = [1, 1]} : vector<128x2048xf32> to vector<8x2048xf32>
    %get3A_940 = arith.constant 656 : index
    %get3A_941 = arith.constant 0 : index
    %get3A_942 = vector.load %arg6[%get3A_940, %get3A_941] : memref<1024x2048xf32, #tpu.memory_space<vmem>>, vector<8x2048xf32>
    %add3A_943 = arith.addf %broadcast_in_dim3A_9, %get3A_942 : vector<8x2048xf32>
    %sub3A_944 = arith.subf %add3A_943, %slice3A_939 : vector<8x2048xf32>
    %lt3A_945 = arith.cmpf olt, %sub3A_944, %min3A_935 : vector<8x2048xf32>
    %min3A_946 = arith.minimumf %min3A_935, %sub3A_944 : vector<8x2048xf32>
    %broadcast_in_dim3A_947 = arith.constant 8.200000e+01 : f32
    %broadcast_in_dim3A_948 = vector.broadcast %broadcast_in_dim3A_947 : f32 to vector<8x2048xf32>
    %select_n3A_949 = arith.select %lt3A_945, %broadcast_in_dim3A_948, %select_n3A_938 : vector<8x2048xi1>, vector<8x2048xf32>
    %slice3A_950 = vector.extract_strided_slice %dot_general3A_916 {offsets = [24, 0], sizes = [8, 2048], strides = [1, 1]} : vector<128x2048xf32> to vector<8x2048xf32>
    %get3A_951 = arith.constant 664 : index
    %get3A_952 = arith.constant 0 : index
    %get3A_953 = vector.load %arg6[%get3A_951, %get3A_952] : memref<1024x2048xf32, #tpu.memory_space<vmem>>, vector<8x2048xf32>
    %add3A_954 = arith.addf %broadcast_in_dim3A_9, %get3A_953 : vector<8x2048xf32>
    %sub3A_955 = arith.subf %add3A_954, %slice3A_950 : vector<8x2048xf32>
    %lt3A_956 = arith.cmpf olt, %sub3A_955, %min3A_946 : vector<8x2048xf32>
    %min3A_957 = arith.minimumf %min3A_946, %sub3A_955 : vector<8x2048xf32>
    %broadcast_in_dim3A_958 = arith.constant 8.300000e+01 : f32
    %broadcast_in_dim3A_959 = vector.broadcast %broadcast_in_dim3A_958 : f32 to vector<8x2048xf32>
    %select_n3A_960 = arith.select %lt3A_956, %broadcast_in_dim3A_959, %select_n3A_949 : vector<8x2048xi1>, vector<8x2048xf32>
    %slice3A_961 = vector.extract_strided_slice %dot_general3A_916 {offsets = [32, 0], sizes = [8, 2048], strides = [1, 1]} : vector<128x2048xf32> to vector<8x2048xf32>
    %get3A_962 = arith.constant 672 : index
    %get3A_963 = arith.constant 0 : index
    %get3A_964 = vector.load %arg6[%get3A_962, %get3A_963] : memref<1024x2048xf32, #tpu.memory_space<vmem>>, vector<8x2048xf32>
    %add3A_965 = arith.addf %broadcast_in_dim3A_9, %get3A_964 : vector<8x2048xf32>
    %sub3A_966 = arith.subf %add3A_965, %slice3A_961 : vector<8x2048xf32>
    %lt3A_967 = arith.cmpf olt, %sub3A_966, %min3A_957 : vector<8x2048xf32>
    %min3A_968 = arith.minimumf %min3A_957, %sub3A_966 : vector<8x2048xf32>
    %broadcast_in_dim3A_969 = arith.constant 8.400000e+01 : f32
    %broadcast_in_dim3A_970 = vector.broadcast %broadcast_in_dim3A_969 : f32 to vector<8x2048xf32>
    %select_n3A_971 = arith.select %lt3A_967, %broadcast_in_dim3A_970, %select_n3A_960 : vector<8x2048xi1>, vector<8x2048xf32>
    %slice3A_972 = vector.extract_strided_slice %dot_general3A_916 {offsets = [40, 0], sizes = [8, 2048], strides = [1, 1]} : vector<128x2048xf32> to vector<8x2048xf32>
    %get3A_973 = arith.constant 680 : index
    %get3A_974 = arith.constant 0 : index
    %get3A_975 = vector.load %arg6[%get3A_973, %get3A_974] : memref<1024x2048xf32, #tpu.memory_space<vmem>>, vector<8x2048xf32>
    %add3A_976 = arith.addf %broadcast_in_dim3A_9, %get3A_975 : vector<8x2048xf32>
    %sub3A_977 = arith.subf %add3A_976, %slice3A_972 : vector<8x2048xf32>
    %lt3A_978 = arith.cmpf olt, %sub3A_977, %min3A_968 : vector<8x2048xf32>
    %min3A_979 = arith.minimumf %min3A_968, %sub3A_977 : vector<8x2048xf32>
    %broadcast_in_dim3A_980 = arith.constant 8.500000e+01 : f32
    %broadcast_in_dim3A_981 = vector.broadcast %broadcast_in_dim3A_980 : f32 to vector<8x2048xf32>
    %select_n3A_982 = arith.select %lt3A_978, %broadcast_in_dim3A_981, %select_n3A_971 : vector<8x2048xi1>, vector<8x2048xf32>
    %slice3A_983 = vector.extract_strided_slice %dot_general3A_916 {offsets = [48, 0], sizes = [8, 2048], strides = [1, 1]} : vector<128x2048xf32> to vector<8x2048xf32>
    %get3A_984 = arith.constant 688 : index
    %get3A_985 = arith.constant 0 : index
    %get3A_986 = vector.load %arg6[%get3A_984, %get3A_985] : memref<1024x2048xf32, #tpu.memory_space<vmem>>, vector<8x2048xf32>
    %add3A_987 = arith.addf %broadcast_in_dim3A_9, %get3A_986 : vector<8x2048xf32>
    %sub3A_988 = arith.subf %add3A_987, %slice3A_983 : vector<8x2048xf32>
    %lt3A_989 = arith.cmpf olt, %sub3A_988, %min3A_979 : vector<8x2048xf32>
    %min3A_990 = arith.minimumf %min3A_979, %sub3A_988 : vector<8x2048xf32>
    %broadcast_in_dim3A_991 = arith.constant 8.600000e+01 : f32
    %broadcast_in_dim3A_992 = vector.broadcast %broadcast_in_dim3A_991 : f32 to vector<8x2048xf32>
    %select_n3A_993 = arith.select %lt3A_989, %broadcast_in_dim3A_992, %select_n3A_982 : vector<8x2048xi1>, vector<8x2048xf32>
    %slice3A_994 = vector.extract_strided_slice %dot_general3A_916 {offsets = [56, 0], sizes = [8, 2048], strides = [1, 1]} : vector<128x2048xf32> to vector<8x2048xf32>
    %get3A_995 = arith.constant 696 : index
    %get3A_996 = arith.constant 0 : index
    %get3A_997 = vector.load %arg6[%get3A_995, %get3A_996] : memref<1024x2048xf32, #tpu.memory_space<vmem>>, vector<8x2048xf32>
    %add3A_998 = arith.addf %broadcast_in_dim3A_9, %get3A_997 : vector<8x2048xf32>
    %sub3A_999 = arith.subf %add3A_998, %slice3A_994 : vector<8x2048xf32>
    %lt3A_1000 = arith.cmpf olt, %sub3A_999, %min3A_990 : vector<8x2048xf32>
    %min3A_1001 = arith.minimumf %min3A_990, %sub3A_999 : vector<8x2048xf32>
    %broadcast_in_dim3A_1002 = arith.constant 8.700000e+01 : f32
    %broadcast_in_dim3A_1003 = vector.broadcast %broadcast_in_dim3A_1002 : f32 to vector<8x2048xf32>
    %select_n3A_1004 = arith.select %lt3A_1000, %broadcast_in_dim3A_1003, %select_n3A_993 : vector<8x2048xi1>, vector<8x2048xf32>
    %slice3A_1005 = vector.extract_strided_slice %dot_general3A_916 {offsets = [64, 0], sizes = [8, 2048], strides = [1, 1]} : vector<128x2048xf32> to vector<8x2048xf32>
    %get3A_1006 = arith.constant 704 : index
    %get3A_1007 = arith.constant 0 : index
    %get3A_1008 = vector.load %arg6[%get3A_1006, %get3A_1007] : memref<1024x2048xf32, #tpu.memory_space<vmem>>, vector<8x2048xf32>
    %add3A_1009 = arith.addf %broadcast_in_dim3A_9, %get3A_1008 : vector<8x2048xf32>
    %sub3A_1010 = arith.subf %add3A_1009, %slice3A_1005 : vector<8x2048xf32>
    %lt3A_1011 = arith.cmpf olt, %sub3A_1010, %min3A_1001 : vector<8x2048xf32>
    %min3A_1012 = arith.minimumf %min3A_1001, %sub3A_1010 : vector<8x2048xf32>
    %broadcast_in_dim3A_1013 = arith.constant 8.800000e+01 : f32
    %broadcast_in_dim3A_1014 = vector.broadcast %broadcast_in_dim3A_1013 : f32 to vector<8x2048xf32>
    %select_n3A_1015 = arith.select %lt3A_1011, %broadcast_in_dim3A_1014, %select_n3A_1004 : vector<8x2048xi1>, vector<8x2048xf32>
    %slice3A_1016 = vector.extract_strided_slice %dot_general3A_916 {offsets = [72, 0], sizes = [8, 2048], strides = [1, 1]} : vector<128x2048xf32> to vector<8x2048xf32>
    %get3A_1017 = arith.constant 712 : index
    %get3A_1018 = arith.constant 0 : index
    %get3A_1019 = vector.load %arg6[%get3A_1017, %get3A_1018] : memref<1024x2048xf32, #tpu.memory_space<vmem>>, vector<8x2048xf32>
    %add3A_1020 = arith.addf %broadcast_in_dim3A_9, %get3A_1019 : vector<8x2048xf32>
    %sub3A_1021 = arith.subf %add3A_1020, %slice3A_1016 : vector<8x2048xf32>
    %lt3A_1022 = arith.cmpf olt, %sub3A_1021, %min3A_1012 : vector<8x2048xf32>
    %min3A_1023 = arith.minimumf %min3A_1012, %sub3A_1021 : vector<8x2048xf32>
    %broadcast_in_dim3A_1024 = arith.constant 8.900000e+01 : f32
    %broadcast_in_dim3A_1025 = vector.broadcast %broadcast_in_dim3A_1024 : f32 to vector<8x2048xf32>
    %select_n3A_1026 = arith.select %lt3A_1022, %broadcast_in_dim3A_1025, %select_n3A_1015 : vector<8x2048xi1>, vector<8x2048xf32>
    %slice3A_1027 = vector.extract_strided_slice %dot_general3A_916 {offsets = [80, 0], sizes = [8, 2048], strides = [1, 1]} : vector<128x2048xf32> to vector<8x2048xf32>
    %get3A_1028 = arith.constant 720 : index
    %get3A_1029 = arith.constant 0 : index
    %get3A_1030 = vector.load %arg6[%get3A_1028, %get3A_1029] : memref<1024x2048xf32, #tpu.memory_space<vmem>>, vector<8x2048xf32>
    %add3A_1031 = arith.addf %broadcast_in_dim3A_9, %get3A_1030 : vector<8x2048xf32>
    %sub3A_1032 = arith.subf %add3A_1031, %slice3A_1027 : vector<8x2048xf32>
    %lt3A_1033 = arith.cmpf olt, %sub3A_1032, %min3A_1023 : vector<8x2048xf32>
    %min3A_1034 = arith.minimumf %min3A_1023, %sub3A_1032 : vector<8x2048xf32>
    %broadcast_in_dim3A_1035 = arith.constant 9.000000e+01 : f32
    %broadcast_in_dim3A_1036 = vector.broadcast %broadcast_in_dim3A_1035 : f32 to vector<8x2048xf32>
    %select_n3A_1037 = arith.select %lt3A_1033, %broadcast_in_dim3A_1036, %select_n3A_1026 : vector<8x2048xi1>, vector<8x2048xf32>
    %slice3A_1038 = vector.extract_strided_slice %dot_general3A_916 {offsets = [88, 0], sizes = [8, 2048], strides = [1, 1]} : vector<128x2048xf32> to vector<8x2048xf32>
    %get3A_1039 = arith.constant 728 : index
    %get3A_1040 = arith.constant 0 : index
    %get3A_1041 = vector.load %arg6[%get3A_1039, %get3A_1040] : memref<1024x2048xf32, #tpu.memory_space<vmem>>, vector<8x2048xf32>
    %add3A_1042 = arith.addf %broadcast_in_dim3A_9, %get3A_1041 : vector<8x2048xf32>
    %sub3A_1043 = arith.subf %add3A_1042, %slice3A_1038 : vector<8x2048xf32>
    %lt3A_1044 = arith.cmpf olt, %sub3A_1043, %min3A_1034 : vector<8x2048xf32>
    %min3A_1045 = arith.minimumf %min3A_1034, %sub3A_1043 : vector<8x2048xf32>
    %broadcast_in_dim3A_1046 = arith.constant 9.100000e+01 : f32
    %broadcast_in_dim3A_1047 = vector.broadcast %broadcast_in_dim3A_1046 : f32 to vector<8x2048xf32>
    %select_n3A_1048 = arith.select %lt3A_1044, %broadcast_in_dim3A_1047, %select_n3A_1037 : vector<8x2048xi1>, vector<8x2048xf32>
    %slice3A_1049 = vector.extract_strided_slice %dot_general3A_916 {offsets = [96, 0], sizes = [8, 2048], strides = [1, 1]} : vector<128x2048xf32> to vector<8x2048xf32>
    %get3A_1050 = arith.constant 736 : index
    %get3A_1051 = arith.constant 0 : index
    %get3A_1052 = vector.load %arg6[%get3A_1050, %get3A_1051] : memref<1024x2048xf32, #tpu.memory_space<vmem>>, vector<8x2048xf32>
    %add3A_1053 = arith.addf %broadcast_in_dim3A_9, %get3A_1052 : vector<8x2048xf32>
    %sub3A_1054 = arith.subf %add3A_1053, %slice3A_1049 : vector<8x2048xf32>
    %lt3A_1055 = arith.cmpf olt, %sub3A_1054, %min3A_1045 : vector<8x2048xf32>
    %min3A_1056 = arith.minimumf %min3A_1045, %sub3A_1054 : vector<8x2048xf32>
    %broadcast_in_dim3A_1057 = arith.constant 9.200000e+01 : f32
    %broadcast_in_dim3A_1058 = vector.broadcast %broadcast_in_dim3A_1057 : f32 to vector<8x2048xf32>
    %select_n3A_1059 = arith.select %lt3A_1055, %broadcast_in_dim3A_1058, %select_n3A_1048 : vector<8x2048xi1>, vector<8x2048xf32>
    %slice3A_1060 = vector.extract_strided_slice %dot_general3A_916 {offsets = [104, 0], sizes = [8, 2048], strides = [1, 1]} : vector<128x2048xf32> to vector<8x2048xf32>
    %get3A_1061 = arith.constant 744 : index
    %get3A_1062 = arith.constant 0 : index
    %get3A_1063 = vector.load %arg6[%get3A_1061, %get3A_1062] : memref<1024x2048xf32, #tpu.memory_space<vmem>>, vector<8x2048xf32>
    %add3A_1064 = arith.addf %broadcast_in_dim3A_9, %get3A_1063 : vector<8x2048xf32>
    %sub3A_1065 = arith.subf %add3A_1064, %slice3A_1060 : vector<8x2048xf32>
    %lt3A_1066 = arith.cmpf olt, %sub3A_1065, %min3A_1056 : vector<8x2048xf32>
    %min3A_1067 = arith.minimumf %min3A_1056, %sub3A_1065 : vector<8x2048xf32>
    %broadcast_in_dim3A_1068 = arith.constant 9.300000e+01 : f32
    %broadcast_in_dim3A_1069 = vector.broadcast %broadcast_in_dim3A_1068 : f32 to vector<8x2048xf32>
    %select_n3A_1070 = arith.select %lt3A_1066, %broadcast_in_dim3A_1069, %select_n3A_1059 : vector<8x2048xi1>, vector<8x2048xf32>
    %slice3A_1071 = vector.extract_strided_slice %dot_general3A_916 {offsets = [112, 0], sizes = [8, 2048], strides = [1, 1]} : vector<128x2048xf32> to vector<8x2048xf32>
    %get3A_1072 = arith.constant 752 : index
    %get3A_1073 = arith.constant 0 : index
    %get3A_1074 = vector.load %arg6[%get3A_1072, %get3A_1073] : memref<1024x2048xf32, #tpu.memory_space<vmem>>, vector<8x2048xf32>
    %add3A_1075 = arith.addf %broadcast_in_dim3A_9, %get3A_1074 : vector<8x2048xf32>
    %sub3A_1076 = arith.subf %add3A_1075, %slice3A_1071 : vector<8x2048xf32>
    %lt3A_1077 = arith.cmpf olt, %sub3A_1076, %min3A_1067 : vector<8x2048xf32>
    %min3A_1078 = arith.minimumf %min3A_1067, %sub3A_1076 : vector<8x2048xf32>
    %broadcast_in_dim3A_1079 = arith.constant 9.400000e+01 : f32
    %broadcast_in_dim3A_1080 = vector.broadcast %broadcast_in_dim3A_1079 : f32 to vector<8x2048xf32>
    %select_n3A_1081 = arith.select %lt3A_1077, %broadcast_in_dim3A_1080, %select_n3A_1070 : vector<8x2048xi1>, vector<8x2048xf32>
    %slice3A_1082 = vector.extract_strided_slice %dot_general3A_916 {offsets = [120, 0], sizes = [8, 2048], strides = [1, 1]} : vector<128x2048xf32> to vector<8x2048xf32>
    %get3A_1083 = arith.constant 760 : index
    %get3A_1084 = arith.constant 0 : index
    %get3A_1085 = vector.load %arg6[%get3A_1083, %get3A_1084] : memref<1024x2048xf32, #tpu.memory_space<vmem>>, vector<8x2048xf32>
    %add3A_1086 = arith.addf %broadcast_in_dim3A_9, %get3A_1085 : vector<8x2048xf32>
    %sub3A_1087 = arith.subf %add3A_1086, %slice3A_1082 : vector<8x2048xf32>
    %lt3A_1088 = arith.cmpf olt, %sub3A_1087, %min3A_1078 : vector<8x2048xf32>
    %min3A_1089 = arith.minimumf %min3A_1078, %sub3A_1087 : vector<8x2048xf32>
    %broadcast_in_dim3A_1090 = arith.constant 9.500000e+01 : f32
    %broadcast_in_dim3A_1091 = vector.broadcast %broadcast_in_dim3A_1090 : f32 to vector<8x2048xf32>
    %select_n3A_1092 = arith.select %lt3A_1088, %broadcast_in_dim3A_1091, %select_n3A_1081 : vector<8x2048xi1>, vector<8x2048xf32>
    %get3A_1093 = arith.constant 768 : index
    %get3A_1094 = arith.constant 0 : index
    %get3A_1095 = vector.load %arg7[%get3A_1093, %get3A_1094] : memref<1024x64xf32, #tpu.memory_space<vmem>>, vector<128x64xf32>
    %dot_general3A_1096 = arith.constant dense<0.000000e+00> : vector<128x2048xf32>
    %dot_general3A_1097 = tpu.matmul %get3A_1095, %get3A_1, %dot_general3A_1096 {dimension_numbers = #tpu.dot_dimension_numbers<[1], [1], [0], [0], [0, 0, 1, 0], [], []>, transpose_lhs_hint = false} : vector<128x64xf32>, vector<2048x64xf32>, vector<128x2048xf32> -> vector<128x2048xf32>
    %slice3A_1098 = vector.extract_strided_slice %dot_general3A_1097 {offsets = [0, 0], sizes = [8, 2048], strides = [1, 1]} : vector<128x2048xf32> to vector<8x2048xf32>
    %get3A_1099 = arith.constant 768 : index
    %get3A_1100 = arith.constant 0 : index
    %get3A_1101 = vector.load %arg6[%get3A_1099, %get3A_1100] : memref<1024x2048xf32, #tpu.memory_space<vmem>>, vector<8x2048xf32>
    %add3A_1102 = arith.addf %broadcast_in_dim3A_9, %get3A_1101 : vector<8x2048xf32>
    %sub3A_1103 = arith.subf %add3A_1102, %slice3A_1098 : vector<8x2048xf32>
    %lt3A_1104 = arith.cmpf olt, %sub3A_1103, %min3A_1089 : vector<8x2048xf32>
    %min3A_1105 = arith.minimumf %min3A_1089, %sub3A_1103 : vector<8x2048xf32>
    %broadcast_in_dim3A_1106 = arith.constant 9.600000e+01 : f32
    %broadcast_in_dim3A_1107 = vector.broadcast %broadcast_in_dim3A_1106 : f32 to vector<8x2048xf32>
    %select_n3A_1108 = arith.select %lt3A_1104, %broadcast_in_dim3A_1107, %select_n3A_1092 : vector<8x2048xi1>, vector<8x2048xf32>
    %slice3A_1109 = vector.extract_strided_slice %dot_general3A_1097 {offsets = [8, 0], sizes = [8, 2048], strides = [1, 1]} : vector<128x2048xf32> to vector<8x2048xf32>
    %get3A_1110 = arith.constant 776 : index
    %get3A_1111 = arith.constant 0 : index
    %get3A_1112 = vector.load %arg6[%get3A_1110, %get3A_1111] : memref<1024x2048xf32, #tpu.memory_space<vmem>>, vector<8x2048xf32>
    %add3A_1113 = arith.addf %broadcast_in_dim3A_9, %get3A_1112 : vector<8x2048xf32>
    %sub3A_1114 = arith.subf %add3A_1113, %slice3A_1109 : vector<8x2048xf32>
    %lt3A_1115 = arith.cmpf olt, %sub3A_1114, %min3A_1105 : vector<8x2048xf32>
    %min3A_1116 = arith.minimumf %min3A_1105, %sub3A_1114 : vector<8x2048xf32>
    %broadcast_in_dim3A_1117 = arith.constant 9.700000e+01 : f32
    %broadcast_in_dim3A_1118 = vector.broadcast %broadcast_in_dim3A_1117 : f32 to vector<8x2048xf32>
    %select_n3A_1119 = arith.select %lt3A_1115, %broadcast_in_dim3A_1118, %select_n3A_1108 : vector<8x2048xi1>, vector<8x2048xf32>
    %slice3A_1120 = vector.extract_strided_slice %dot_general3A_1097 {offsets = [16, 0], sizes = [8, 2048], strides = [1, 1]} : vector<128x2048xf32> to vector<8x2048xf32>
    %get3A_1121 = arith.constant 784 : index
    %get3A_1122 = arith.constant 0 : index
    %get3A_1123 = vector.load %arg6[%get3A_1121, %get3A_1122] : memref<1024x2048xf32, #tpu.memory_space<vmem>>, vector<8x2048xf32>
    %add3A_1124 = arith.addf %broadcast_in_dim3A_9, %get3A_1123 : vector<8x2048xf32>
    %sub3A_1125 = arith.subf %add3A_1124, %slice3A_1120 : vector<8x2048xf32>
    %lt3A_1126 = arith.cmpf olt, %sub3A_1125, %min3A_1116 : vector<8x2048xf32>
    %min3A_1127 = arith.minimumf %min3A_1116, %sub3A_1125 : vector<8x2048xf32>
    %broadcast_in_dim3A_1128 = arith.constant 9.800000e+01 : f32
    %broadcast_in_dim3A_1129 = vector.broadcast %broadcast_in_dim3A_1128 : f32 to vector<8x2048xf32>
    %select_n3A_1130 = arith.select %lt3A_1126, %broadcast_in_dim3A_1129, %select_n3A_1119 : vector<8x2048xi1>, vector<8x2048xf32>
    %slice3A_1131 = vector.extract_strided_slice %dot_general3A_1097 {offsets = [24, 0], sizes = [8, 2048], strides = [1, 1]} : vector<128x2048xf32> to vector<8x2048xf32>
    %get3A_1132 = arith.constant 792 : index
    %get3A_1133 = arith.constant 0 : index
    %get3A_1134 = vector.load %arg6[%get3A_1132, %get3A_1133] : memref<1024x2048xf32, #tpu.memory_space<vmem>>, vector<8x2048xf32>
    %add3A_1135 = arith.addf %broadcast_in_dim3A_9, %get3A_1134 : vector<8x2048xf32>
    %sub3A_1136 = arith.subf %add3A_1135, %slice3A_1131 : vector<8x2048xf32>
    %lt3A_1137 = arith.cmpf olt, %sub3A_1136, %min3A_1127 : vector<8x2048xf32>
    %min3A_1138 = arith.minimumf %min3A_1127, %sub3A_1136 : vector<8x2048xf32>
    %broadcast_in_dim3A_1139 = arith.constant 9.900000e+01 : f32
    %broadcast_in_dim3A_1140 = vector.broadcast %broadcast_in_dim3A_1139 : f32 to vector<8x2048xf32>
    %select_n3A_1141 = arith.select %lt3A_1137, %broadcast_in_dim3A_1140, %select_n3A_1130 : vector<8x2048xi1>, vector<8x2048xf32>
    %slice3A_1142 = vector.extract_strided_slice %dot_general3A_1097 {offsets = [32, 0], sizes = [8, 2048], strides = [1, 1]} : vector<128x2048xf32> to vector<8x2048xf32>
    %get3A_1143 = arith.constant 800 : index
    %get3A_1144 = arith.constant 0 : index
    %get3A_1145 = vector.load %arg6[%get3A_1143, %get3A_1144] : memref<1024x2048xf32, #tpu.memory_space<vmem>>, vector<8x2048xf32>
    %add3A_1146 = arith.addf %broadcast_in_dim3A_9, %get3A_1145 : vector<8x2048xf32>
    %sub3A_1147 = arith.subf %add3A_1146, %slice3A_1142 : vector<8x2048xf32>
    %lt3A_1148 = arith.cmpf olt, %sub3A_1147, %min3A_1138 : vector<8x2048xf32>
    %min3A_1149 = arith.minimumf %min3A_1138, %sub3A_1147 : vector<8x2048xf32>
    %broadcast_in_dim3A_1150 = arith.constant 1.000000e+02 : f32
    %broadcast_in_dim3A_1151 = vector.broadcast %broadcast_in_dim3A_1150 : f32 to vector<8x2048xf32>
    %select_n3A_1152 = arith.select %lt3A_1148, %broadcast_in_dim3A_1151, %select_n3A_1141 : vector<8x2048xi1>, vector<8x2048xf32>
    %slice3A_1153 = vector.extract_strided_slice %dot_general3A_1097 {offsets = [40, 0], sizes = [8, 2048], strides = [1, 1]} : vector<128x2048xf32> to vector<8x2048xf32>
    %get3A_1154 = arith.constant 808 : index
    %get3A_1155 = arith.constant 0 : index
    %get3A_1156 = vector.load %arg6[%get3A_1154, %get3A_1155] : memref<1024x2048xf32, #tpu.memory_space<vmem>>, vector<8x2048xf32>
    %add3A_1157 = arith.addf %broadcast_in_dim3A_9, %get3A_1156 : vector<8x2048xf32>
    %sub3A_1158 = arith.subf %add3A_1157, %slice3A_1153 : vector<8x2048xf32>
    %lt3A_1159 = arith.cmpf olt, %sub3A_1158, %min3A_1149 : vector<8x2048xf32>
    %min3A_1160 = arith.minimumf %min3A_1149, %sub3A_1158 : vector<8x2048xf32>
    %broadcast_in_dim3A_1161 = arith.constant 1.010000e+02 : f32
    %broadcast_in_dim3A_1162 = vector.broadcast %broadcast_in_dim3A_1161 : f32 to vector<8x2048xf32>
    %select_n3A_1163 = arith.select %lt3A_1159, %broadcast_in_dim3A_1162, %select_n3A_1152 : vector<8x2048xi1>, vector<8x2048xf32>
    %slice3A_1164 = vector.extract_strided_slice %dot_general3A_1097 {offsets = [48, 0], sizes = [8, 2048], strides = [1, 1]} : vector<128x2048xf32> to vector<8x2048xf32>
    %get3A_1165 = arith.constant 816 : index
    %get3A_1166 = arith.constant 0 : index
    %get3A_1167 = vector.load %arg6[%get3A_1165, %get3A_1166] : memref<1024x2048xf32, #tpu.memory_space<vmem>>, vector<8x2048xf32>
    %add3A_1168 = arith.addf %broadcast_in_dim3A_9, %get3A_1167 : vector<8x2048xf32>
    %sub3A_1169 = arith.subf %add3A_1168, %slice3A_1164 : vector<8x2048xf32>
    %lt3A_1170 = arith.cmpf olt, %sub3A_1169, %min3A_1160 : vector<8x2048xf32>
    %min3A_1171 = arith.minimumf %min3A_1160, %sub3A_1169 : vector<8x2048xf32>
    %broadcast_in_dim3A_1172 = arith.constant 1.020000e+02 : f32
    %broadcast_in_dim3A_1173 = vector.broadcast %broadcast_in_dim3A_1172 : f32 to vector<8x2048xf32>
    %select_n3A_1174 = arith.select %lt3A_1170, %broadcast_in_dim3A_1173, %select_n3A_1163 : vector<8x2048xi1>, vector<8x2048xf32>
    %slice3A_1175 = vector.extract_strided_slice %dot_general3A_1097 {offsets = [56, 0], sizes = [8, 2048], strides = [1, 1]} : vector<128x2048xf32> to vector<8x2048xf32>
    %get3A_1176 = arith.constant 824 : index
    %get3A_1177 = arith.constant 0 : index
    %get3A_1178 = vector.load %arg6[%get3A_1176, %get3A_1177] : memref<1024x2048xf32, #tpu.memory_space<vmem>>, vector<8x2048xf32>
    %add3A_1179 = arith.addf %broadcast_in_dim3A_9, %get3A_1178 : vector<8x2048xf32>
    %sub3A_1180 = arith.subf %add3A_1179, %slice3A_1175 : vector<8x2048xf32>
    %lt3A_1181 = arith.cmpf olt, %sub3A_1180, %min3A_1171 : vector<8x2048xf32>
    %min3A_1182 = arith.minimumf %min3A_1171, %sub3A_1180 : vector<8x2048xf32>
    %broadcast_in_dim3A_1183 = arith.constant 1.030000e+02 : f32
    %broadcast_in_dim3A_1184 = vector.broadcast %broadcast_in_dim3A_1183 : f32 to vector<8x2048xf32>
    %select_n3A_1185 = arith.select %lt3A_1181, %broadcast_in_dim3A_1184, %select_n3A_1174 : vector<8x2048xi1>, vector<8x2048xf32>
    %slice3A_1186 = vector.extract_strided_slice %dot_general3A_1097 {offsets = [64, 0], sizes = [8, 2048], strides = [1, 1]} : vector<128x2048xf32> to vector<8x2048xf32>
    %get3A_1187 = arith.constant 832 : index
    %get3A_1188 = arith.constant 0 : index
    %get3A_1189 = vector.load %arg6[%get3A_1187, %get3A_1188] : memref<1024x2048xf32, #tpu.memory_space<vmem>>, vector<8x2048xf32>
    %add3A_1190 = arith.addf %broadcast_in_dim3A_9, %get3A_1189 : vector<8x2048xf32>
    %sub3A_1191 = arith.subf %add3A_1190, %slice3A_1186 : vector<8x2048xf32>
    %lt3A_1192 = arith.cmpf olt, %sub3A_1191, %min3A_1182 : vector<8x2048xf32>
    %min3A_1193 = arith.minimumf %min3A_1182, %sub3A_1191 : vector<8x2048xf32>
    %broadcast_in_dim3A_1194 = arith.constant 1.040000e+02 : f32
    %broadcast_in_dim3A_1195 = vector.broadcast %broadcast_in_dim3A_1194 : f32 to vector<8x2048xf32>
    %select_n3A_1196 = arith.select %lt3A_1192, %broadcast_in_dim3A_1195, %select_n3A_1185 : vector<8x2048xi1>, vector<8x2048xf32>
    %slice3A_1197 = vector.extract_strided_slice %dot_general3A_1097 {offsets = [72, 0], sizes = [8, 2048], strides = [1, 1]} : vector<128x2048xf32> to vector<8x2048xf32>
    %get3A_1198 = arith.constant 840 : index
    %get3A_1199 = arith.constant 0 : index
    %get3A_1200 = vector.load %arg6[%get3A_1198, %get3A_1199] : memref<1024x2048xf32, #tpu.memory_space<vmem>>, vector<8x2048xf32>
    %add3A_1201 = arith.addf %broadcast_in_dim3A_9, %get3A_1200 : vector<8x2048xf32>
    %sub3A_1202 = arith.subf %add3A_1201, %slice3A_1197 : vector<8x2048xf32>
    %lt3A_1203 = arith.cmpf olt, %sub3A_1202, %min3A_1193 : vector<8x2048xf32>
    %min3A_1204 = arith.minimumf %min3A_1193, %sub3A_1202 : vector<8x2048xf32>
    %broadcast_in_dim3A_1205 = arith.constant 1.050000e+02 : f32
    %broadcast_in_dim3A_1206 = vector.broadcast %broadcast_in_dim3A_1205 : f32 to vector<8x2048xf32>
    %select_n3A_1207 = arith.select %lt3A_1203, %broadcast_in_dim3A_1206, %select_n3A_1196 : vector<8x2048xi1>, vector<8x2048xf32>
    %slice3A_1208 = vector.extract_strided_slice %dot_general3A_1097 {offsets = [80, 0], sizes = [8, 2048], strides = [1, 1]} : vector<128x2048xf32> to vector<8x2048xf32>
    %get3A_1209 = arith.constant 848 : index
    %get3A_1210 = arith.constant 0 : index
    %get3A_1211 = vector.load %arg6[%get3A_1209, %get3A_1210] : memref<1024x2048xf32, #tpu.memory_space<vmem>>, vector<8x2048xf32>
    %add3A_1212 = arith.addf %broadcast_in_dim3A_9, %get3A_1211 : vector<8x2048xf32>
    %sub3A_1213 = arith.subf %add3A_1212, %slice3A_1208 : vector<8x2048xf32>
    %lt3A_1214 = arith.cmpf olt, %sub3A_1213, %min3A_1204 : vector<8x2048xf32>
    %min3A_1215 = arith.minimumf %min3A_1204, %sub3A_1213 : vector<8x2048xf32>
    %broadcast_in_dim3A_1216 = arith.constant 1.060000e+02 : f32
    %broadcast_in_dim3A_1217 = vector.broadcast %broadcast_in_dim3A_1216 : f32 to vector<8x2048xf32>
    %select_n3A_1218 = arith.select %lt3A_1214, %broadcast_in_dim3A_1217, %select_n3A_1207 : vector<8x2048xi1>, vector<8x2048xf32>
    %slice3A_1219 = vector.extract_strided_slice %dot_general3A_1097 {offsets = [88, 0], sizes = [8, 2048], strides = [1, 1]} : vector<128x2048xf32> to vector<8x2048xf32>
    %get3A_1220 = arith.constant 856 : index
    %get3A_1221 = arith.constant 0 : index
    %get3A_1222 = vector.load %arg6[%get3A_1220, %get3A_1221] : memref<1024x2048xf32, #tpu.memory_space<vmem>>, vector<8x2048xf32>
    %add3A_1223 = arith.addf %broadcast_in_dim3A_9, %get3A_1222 : vector<8x2048xf32>
    %sub3A_1224 = arith.subf %add3A_1223, %slice3A_1219 : vector<8x2048xf32>
    %lt3A_1225 = arith.cmpf olt, %sub3A_1224, %min3A_1215 : vector<8x2048xf32>
    %min3A_1226 = arith.minimumf %min3A_1215, %sub3A_1224 : vector<8x2048xf32>
    %broadcast_in_dim3A_1227 = arith.constant 1.070000e+02 : f32
    %broadcast_in_dim3A_1228 = vector.broadcast %broadcast_in_dim3A_1227 : f32 to vector<8x2048xf32>
    %select_n3A_1229 = arith.select %lt3A_1225, %broadcast_in_dim3A_1228, %select_n3A_1218 : vector<8x2048xi1>, vector<8x2048xf32>
    %slice3A_1230 = vector.extract_strided_slice %dot_general3A_1097 {offsets = [96, 0], sizes = [8, 2048], strides = [1, 1]} : vector<128x2048xf32> to vector<8x2048xf32>
    %get3A_1231 = arith.constant 864 : index
    %get3A_1232 = arith.constant 0 : index
    %get3A_1233 = vector.load %arg6[%get3A_1231, %get3A_1232] : memref<1024x2048xf32, #tpu.memory_space<vmem>>, vector<8x2048xf32>
    %add3A_1234 = arith.addf %broadcast_in_dim3A_9, %get3A_1233 : vector<8x2048xf32>
    %sub3A_1235 = arith.subf %add3A_1234, %slice3A_1230 : vector<8x2048xf32>
    %lt3A_1236 = arith.cmpf olt, %sub3A_1235, %min3A_1226 : vector<8x2048xf32>
    %min3A_1237 = arith.minimumf %min3A_1226, %sub3A_1235 : vector<8x2048xf32>
    %broadcast_in_dim3A_1238 = arith.constant 1.080000e+02 : f32
    %broadcast_in_dim3A_1239 = vector.broadcast %broadcast_in_dim3A_1238 : f32 to vector<8x2048xf32>
    %select_n3A_1240 = arith.select %lt3A_1236, %broadcast_in_dim3A_1239, %select_n3A_1229 : vector<8x2048xi1>, vector<8x2048xf32>
    %slice3A_1241 = vector.extract_strided_slice %dot_general3A_1097 {offsets = [104, 0], sizes = [8, 2048], strides = [1, 1]} : vector<128x2048xf32> to vector<8x2048xf32>
    %get3A_1242 = arith.constant 872 : index
    %get3A_1243 = arith.constant 0 : index
    %get3A_1244 = vector.load %arg6[%get3A_1242, %get3A_1243] : memref<1024x2048xf32, #tpu.memory_space<vmem>>, vector<8x2048xf32>
    %add3A_1245 = arith.addf %broadcast_in_dim3A_9, %get3A_1244 : vector<8x2048xf32>
    %sub3A_1246 = arith.subf %add3A_1245, %slice3A_1241 : vector<8x2048xf32>
    %lt3A_1247 = arith.cmpf olt, %sub3A_1246, %min3A_1237 : vector<8x2048xf32>
    %min3A_1248 = arith.minimumf %min3A_1237, %sub3A_1246 : vector<8x2048xf32>
    %broadcast_in_dim3A_1249 = arith.constant 1.090000e+02 : f32
    %broadcast_in_dim3A_1250 = vector.broadcast %broadcast_in_dim3A_1249 : f32 to vector<8x2048xf32>
    %select_n3A_1251 = arith.select %lt3A_1247, %broadcast_in_dim3A_1250, %select_n3A_1240 : vector<8x2048xi1>, vector<8x2048xf32>
    %slice3A_1252 = vector.extract_strided_slice %dot_general3A_1097 {offsets = [112, 0], sizes = [8, 2048], strides = [1, 1]} : vector<128x2048xf32> to vector<8x2048xf32>
    %get3A_1253 = arith.constant 880 : index
    %get3A_1254 = arith.constant 0 : index
    %get3A_1255 = vector.load %arg6[%get3A_1253, %get3A_1254] : memref<1024x2048xf32, #tpu.memory_space<vmem>>, vector<8x2048xf32>
    %add3A_1256 = arith.addf %broadcast_in_dim3A_9, %get3A_1255 : vector<8x2048xf32>
    %sub3A_1257 = arith.subf %add3A_1256, %slice3A_1252 : vector<8x2048xf32>
    %lt3A_1258 = arith.cmpf olt, %sub3A_1257, %min3A_1248 : vector<8x2048xf32>
    %min3A_1259 = arith.minimumf %min3A_1248, %sub3A_1257 : vector<8x2048xf32>
    %broadcast_in_dim3A_1260 = arith.constant 1.100000e+02 : f32
    %broadcast_in_dim3A_1261 = vector.broadcast %broadcast_in_dim3A_1260 : f32 to vector<8x2048xf32>
    %select_n3A_1262 = arith.select %lt3A_1258, %broadcast_in_dim3A_1261, %select_n3A_1251 : vector<8x2048xi1>, vector<8x2048xf32>
    %slice3A_1263 = vector.extract_strided_slice %dot_general3A_1097 {offsets = [120, 0], sizes = [8, 2048], strides = [1, 1]} : vector<128x2048xf32> to vector<8x2048xf32>
    %get3A_1264 = arith.constant 888 : index
    %get3A_1265 = arith.constant 0 : index
    %get3A_1266 = vector.load %arg6[%get3A_1264, %get3A_1265] : memref<1024x2048xf32, #tpu.memory_space<vmem>>, vector<8x2048xf32>
    %add3A_1267 = arith.addf %broadcast_in_dim3A_9, %get3A_1266 : vector<8x2048xf32>
    %sub3A_1268 = arith.subf %add3A_1267, %slice3A_1263 : vector<8x2048xf32>
    %lt3A_1269 = arith.cmpf olt, %sub3A_1268, %min3A_1259 : vector<8x2048xf32>
    %min3A_1270 = arith.minimumf %min3A_1259, %sub3A_1268 : vector<8x2048xf32>
    %broadcast_in_dim3A_1271 = arith.constant 1.110000e+02 : f32
    %broadcast_in_dim3A_1272 = vector.broadcast %broadcast_in_dim3A_1271 : f32 to vector<8x2048xf32>
    %select_n3A_1273 = arith.select %lt3A_1269, %broadcast_in_dim3A_1272, %select_n3A_1262 : vector<8x2048xi1>, vector<8x2048xf32>
    %get3A_1274 = arith.constant 896 : index
    %get3A_1275 = arith.constant 0 : index
    %get3A_1276 = vector.load %arg7[%get3A_1274, %get3A_1275] : memref<1024x64xf32, #tpu.memory_space<vmem>>, vector<128x64xf32>
    %dot_general3A_1277 = arith.constant dense<0.000000e+00> : vector<128x2048xf32>
    %dot_general3A_1278 = tpu.matmul %get3A_1276, %get3A_1, %dot_general3A_1277 {dimension_numbers = #tpu.dot_dimension_numbers<[1], [1], [0], [0], [0, 0, 1, 0], [], []>, transpose_lhs_hint = false} : vector<128x64xf32>, vector<2048x64xf32>, vector<128x2048xf32> -> vector<128x2048xf32>
    %slice3A_1279 = vector.extract_strided_slice %dot_general3A_1278 {offsets = [0, 0], sizes = [8, 2048], strides = [1, 1]} : vector<128x2048xf32> to vector<8x2048xf32>
    %get3A_1280 = arith.constant 896 : index
    %get3A_1281 = arith.constant 0 : index
    %get3A_1282 = vector.load %arg6[%get3A_1280, %get3A_1281] : memref<1024x2048xf32, #tpu.memory_space<vmem>>, vector<8x2048xf32>
    %add3A_1283 = arith.addf %broadcast_in_dim3A_9, %get3A_1282 : vector<8x2048xf32>
    %sub3A_1284 = arith.subf %add3A_1283, %slice3A_1279 : vector<8x2048xf32>
    %lt3A_1285 = arith.cmpf olt, %sub3A_1284, %min3A_1270 : vector<8x2048xf32>
    %min3A_1286 = arith.minimumf %min3A_1270, %sub3A_1284 : vector<8x2048xf32>
    %broadcast_in_dim3A_1287 = arith.constant 1.120000e+02 : f32
    %broadcast_in_dim3A_1288 = vector.broadcast %broadcast_in_dim3A_1287 : f32 to vector<8x2048xf32>
    %select_n3A_1289 = arith.select %lt3A_1285, %broadcast_in_dim3A_1288, %select_n3A_1273 : vector<8x2048xi1>, vector<8x2048xf32>
    %slice3A_1290 = vector.extract_strided_slice %dot_general3A_1278 {offsets = [8, 0], sizes = [8, 2048], strides = [1, 1]} : vector<128x2048xf32> to vector<8x2048xf32>
    %get3A_1291 = arith.constant 904 : index
    %get3A_1292 = arith.constant 0 : index
    %get3A_1293 = vector.load %arg6[%get3A_1291, %get3A_1292] : memref<1024x2048xf32, #tpu.memory_space<vmem>>, vector<8x2048xf32>
    %add3A_1294 = arith.addf %broadcast_in_dim3A_9, %get3A_1293 : vector<8x2048xf32>
    %sub3A_1295 = arith.subf %add3A_1294, %slice3A_1290 : vector<8x2048xf32>
    %lt3A_1296 = arith.cmpf olt, %sub3A_1295, %min3A_1286 : vector<8x2048xf32>
    %min3A_1297 = arith.minimumf %min3A_1286, %sub3A_1295 : vector<8x2048xf32>
    %broadcast_in_dim3A_1298 = arith.constant 1.130000e+02 : f32
    %broadcast_in_dim3A_1299 = vector.broadcast %broadcast_in_dim3A_1298 : f32 to vector<8x2048xf32>
    %select_n3A_1300 = arith.select %lt3A_1296, %broadcast_in_dim3A_1299, %select_n3A_1289 : vector<8x2048xi1>, vector<8x2048xf32>
    %slice3A_1301 = vector.extract_strided_slice %dot_general3A_1278 {offsets = [16, 0], sizes = [8, 2048], strides = [1, 1]} : vector<128x2048xf32> to vector<8x2048xf32>
    %get3A_1302 = arith.constant 912 : index
    %get3A_1303 = arith.constant 0 : index
    %get3A_1304 = vector.load %arg6[%get3A_1302, %get3A_1303] : memref<1024x2048xf32, #tpu.memory_space<vmem>>, vector<8x2048xf32>
    %add3A_1305 = arith.addf %broadcast_in_dim3A_9, %get3A_1304 : vector<8x2048xf32>
    %sub3A_1306 = arith.subf %add3A_1305, %slice3A_1301 : vector<8x2048xf32>
    %lt3A_1307 = arith.cmpf olt, %sub3A_1306, %min3A_1297 : vector<8x2048xf32>
    %min3A_1308 = arith.minimumf %min3A_1297, %sub3A_1306 : vector<8x2048xf32>
    %broadcast_in_dim3A_1309 = arith.constant 1.140000e+02 : f32
    %broadcast_in_dim3A_1310 = vector.broadcast %broadcast_in_dim3A_1309 : f32 to vector<8x2048xf32>
    %select_n3A_1311 = arith.select %lt3A_1307, %broadcast_in_dim3A_1310, %select_n3A_1300 : vector<8x2048xi1>, vector<8x2048xf32>
    %slice3A_1312 = vector.extract_strided_slice %dot_general3A_1278 {offsets = [24, 0], sizes = [8, 2048], strides = [1, 1]} : vector<128x2048xf32> to vector<8x2048xf32>
    %get3A_1313 = arith.constant 920 : index
    %get3A_1314 = arith.constant 0 : index
    %get3A_1315 = vector.load %arg6[%get3A_1313, %get3A_1314] : memref<1024x2048xf32, #tpu.memory_space<vmem>>, vector<8x2048xf32>
    %add3A_1316 = arith.addf %broadcast_in_dim3A_9, %get3A_1315 : vector<8x2048xf32>
    %sub3A_1317 = arith.subf %add3A_1316, %slice3A_1312 : vector<8x2048xf32>
    %lt3A_1318 = arith.cmpf olt, %sub3A_1317, %min3A_1308 : vector<8x2048xf32>
    %min3A_1319 = arith.minimumf %min3A_1308, %sub3A_1317 : vector<8x2048xf32>
    %broadcast_in_dim3A_1320 = arith.constant 1.150000e+02 : f32
    %broadcast_in_dim3A_1321 = vector.broadcast %broadcast_in_dim3A_1320 : f32 to vector<8x2048xf32>
    %select_n3A_1322 = arith.select %lt3A_1318, %broadcast_in_dim3A_1321, %select_n3A_1311 : vector<8x2048xi1>, vector<8x2048xf32>
    %slice3A_1323 = vector.extract_strided_slice %dot_general3A_1278 {offsets = [32, 0], sizes = [8, 2048], strides = [1, 1]} : vector<128x2048xf32> to vector<8x2048xf32>
    %get3A_1324 = arith.constant 928 : index
    %get3A_1325 = arith.constant 0 : index
    %get3A_1326 = vector.load %arg6[%get3A_1324, %get3A_1325] : memref<1024x2048xf32, #tpu.memory_space<vmem>>, vector<8x2048xf32>
    %add3A_1327 = arith.addf %broadcast_in_dim3A_9, %get3A_1326 : vector<8x2048xf32>
    %sub3A_1328 = arith.subf %add3A_1327, %slice3A_1323 : vector<8x2048xf32>
    %lt3A_1329 = arith.cmpf olt, %sub3A_1328, %min3A_1319 : vector<8x2048xf32>
    %min3A_1330 = arith.minimumf %min3A_1319, %sub3A_1328 : vector<8x2048xf32>
    %broadcast_in_dim3A_1331 = arith.constant 1.160000e+02 : f32
    %broadcast_in_dim3A_1332 = vector.broadcast %broadcast_in_dim3A_1331 : f32 to vector<8x2048xf32>
    %select_n3A_1333 = arith.select %lt3A_1329, %broadcast_in_dim3A_1332, %select_n3A_1322 : vector<8x2048xi1>, vector<8x2048xf32>
    %slice3A_1334 = vector.extract_strided_slice %dot_general3A_1278 {offsets = [40, 0], sizes = [8, 2048], strides = [1, 1]} : vector<128x2048xf32> to vector<8x2048xf32>
    %get3A_1335 = arith.constant 936 : index
    %get3A_1336 = arith.constant 0 : index
    %get3A_1337 = vector.load %arg6[%get3A_1335, %get3A_1336] : memref<1024x2048xf32, #tpu.memory_space<vmem>>, vector<8x2048xf32>
    %add3A_1338 = arith.addf %broadcast_in_dim3A_9, %get3A_1337 : vector<8x2048xf32>
    %sub3A_1339 = arith.subf %add3A_1338, %slice3A_1334 : vector<8x2048xf32>
    %lt3A_1340 = arith.cmpf olt, %sub3A_1339, %min3A_1330 : vector<8x2048xf32>
    %min3A_1341 = arith.minimumf %min3A_1330, %sub3A_1339 : vector<8x2048xf32>
    %broadcast_in_dim3A_1342 = arith.constant 1.170000e+02 : f32
    %broadcast_in_dim3A_1343 = vector.broadcast %broadcast_in_dim3A_1342 : f32 to vector<8x2048xf32>
    %select_n3A_1344 = arith.select %lt3A_1340, %broadcast_in_dim3A_1343, %select_n3A_1333 : vector<8x2048xi1>, vector<8x2048xf32>
    %slice3A_1345 = vector.extract_strided_slice %dot_general3A_1278 {offsets = [48, 0], sizes = [8, 2048], strides = [1, 1]} : vector<128x2048xf32> to vector<8x2048xf32>
    %get3A_1346 = arith.constant 944 : index
    %get3A_1347 = arith.constant 0 : index
    %get3A_1348 = vector.load %arg6[%get3A_1346, %get3A_1347] : memref<1024x2048xf32, #tpu.memory_space<vmem>>, vector<8x2048xf32>
    %add3A_1349 = arith.addf %broadcast_in_dim3A_9, %get3A_1348 : vector<8x2048xf32>
    %sub3A_1350 = arith.subf %add3A_1349, %slice3A_1345 : vector<8x2048xf32>
    %lt3A_1351 = arith.cmpf olt, %sub3A_1350, %min3A_1341 : vector<8x2048xf32>
    %min3A_1352 = arith.minimumf %min3A_1341, %sub3A_1350 : vector<8x2048xf32>
    %broadcast_in_dim3A_1353 = arith.constant 1.180000e+02 : f32
    %broadcast_in_dim3A_1354 = vector.broadcast %broadcast_in_dim3A_1353 : f32 to vector<8x2048xf32>
    %select_n3A_1355 = arith.select %lt3A_1351, %broadcast_in_dim3A_1354, %select_n3A_1344 : vector<8x2048xi1>, vector<8x2048xf32>
    %slice3A_1356 = vector.extract_strided_slice %dot_general3A_1278 {offsets = [56, 0], sizes = [8, 2048], strides = [1, 1]} : vector<128x2048xf32> to vector<8x2048xf32>
    %get3A_1357 = arith.constant 952 : index
    %get3A_1358 = arith.constant 0 : index
    %get3A_1359 = vector.load %arg6[%get3A_1357, %get3A_1358] : memref<1024x2048xf32, #tpu.memory_space<vmem>>, vector<8x2048xf32>
    %add3A_1360 = arith.addf %broadcast_in_dim3A_9, %get3A_1359 : vector<8x2048xf32>
    %sub3A_1361 = arith.subf %add3A_1360, %slice3A_1356 : vector<8x2048xf32>
    %lt3A_1362 = arith.cmpf olt, %sub3A_1361, %min3A_1352 : vector<8x2048xf32>
    %min3A_1363 = arith.minimumf %min3A_1352, %sub3A_1361 : vector<8x2048xf32>
    %broadcast_in_dim3A_1364 = arith.constant 1.190000e+02 : f32
    %broadcast_in_dim3A_1365 = vector.broadcast %broadcast_in_dim3A_1364 : f32 to vector<8x2048xf32>
    %select_n3A_1366 = arith.select %lt3A_1362, %broadcast_in_dim3A_1365, %select_n3A_1355 : vector<8x2048xi1>, vector<8x2048xf32>
    %slice3A_1367 = vector.extract_strided_slice %dot_general3A_1278 {offsets = [64, 0], sizes = [8, 2048], strides = [1, 1]} : vector<128x2048xf32> to vector<8x2048xf32>
    %get3A_1368 = arith.constant 960 : index
    %get3A_1369 = arith.constant 0 : index
    %get3A_1370 = vector.load %arg6[%get3A_1368, %get3A_1369] : memref<1024x2048xf32, #tpu.memory_space<vmem>>, vector<8x2048xf32>
    %add3A_1371 = arith.addf %broadcast_in_dim3A_9, %get3A_1370 : vector<8x2048xf32>
    %sub3A_1372 = arith.subf %add3A_1371, %slice3A_1367 : vector<8x2048xf32>
    %lt3A_1373 = arith.cmpf olt, %sub3A_1372, %min3A_1363 : vector<8x2048xf32>
    %min3A_1374 = arith.minimumf %min3A_1363, %sub3A_1372 : vector<8x2048xf32>
    %broadcast_in_dim3A_1375 = arith.constant 1.200000e+02 : f32
    %broadcast_in_dim3A_1376 = vector.broadcast %broadcast_in_dim3A_1375 : f32 to vector<8x2048xf32>
    %select_n3A_1377 = arith.select %lt3A_1373, %broadcast_in_dim3A_1376, %select_n3A_1366 : vector<8x2048xi1>, vector<8x2048xf32>
    %slice3A_1378 = vector.extract_strided_slice %dot_general3A_1278 {offsets = [72, 0], sizes = [8, 2048], strides = [1, 1]} : vector<128x2048xf32> to vector<8x2048xf32>
    %get3A_1379 = arith.constant 968 : index
    %get3A_1380 = arith.constant 0 : index
    %get3A_1381 = vector.load %arg6[%get3A_1379, %get3A_1380] : memref<1024x2048xf32, #tpu.memory_space<vmem>>, vector<8x2048xf32>
    %add3A_1382 = arith.addf %broadcast_in_dim3A_9, %get3A_1381 : vector<8x2048xf32>
    %sub3A_1383 = arith.subf %add3A_1382, %slice3A_1378 : vector<8x2048xf32>
    %lt3A_1384 = arith.cmpf olt, %sub3A_1383, %min3A_1374 : vector<8x2048xf32>
    %min3A_1385 = arith.minimumf %min3A_1374, %sub3A_1383 : vector<8x2048xf32>
    %broadcast_in_dim3A_1386 = arith.constant 1.210000e+02 : f32
    %broadcast_in_dim3A_1387 = vector.broadcast %broadcast_in_dim3A_1386 : f32 to vector<8x2048xf32>
    %select_n3A_1388 = arith.select %lt3A_1384, %broadcast_in_dim3A_1387, %select_n3A_1377 : vector<8x2048xi1>, vector<8x2048xf32>
    %slice3A_1389 = vector.extract_strided_slice %dot_general3A_1278 {offsets = [80, 0], sizes = [8, 2048], strides = [1, 1]} : vector<128x2048xf32> to vector<8x2048xf32>
    %get3A_1390 = arith.constant 976 : index
    %get3A_1391 = arith.constant 0 : index
    %get3A_1392 = vector.load %arg6[%get3A_1390, %get3A_1391] : memref<1024x2048xf32, #tpu.memory_space<vmem>>, vector<8x2048xf32>
    %add3A_1393 = arith.addf %broadcast_in_dim3A_9, %get3A_1392 : vector<8x2048xf32>
    %sub3A_1394 = arith.subf %add3A_1393, %slice3A_1389 : vector<8x2048xf32>
    %lt3A_1395 = arith.cmpf olt, %sub3A_1394, %min3A_1385 : vector<8x2048xf32>
    %min3A_1396 = arith.minimumf %min3A_1385, %sub3A_1394 : vector<8x2048xf32>
    %broadcast_in_dim3A_1397 = arith.constant 1.220000e+02 : f32
    %broadcast_in_dim3A_1398 = vector.broadcast %broadcast_in_dim3A_1397 : f32 to vector<8x2048xf32>
    %select_n3A_1399 = arith.select %lt3A_1395, %broadcast_in_dim3A_1398, %select_n3A_1388 : vector<8x2048xi1>, vector<8x2048xf32>
    %slice3A_1400 = vector.extract_strided_slice %dot_general3A_1278 {offsets = [88, 0], sizes = [8, 2048], strides = [1, 1]} : vector<128x2048xf32> to vector<8x2048xf32>
    %get3A_1401 = arith.constant 984 : index
    %get3A_1402 = arith.constant 0 : index
    %get3A_1403 = vector.load %arg6[%get3A_1401, %get3A_1402] : memref<1024x2048xf32, #tpu.memory_space<vmem>>, vector<8x2048xf32>
    %add3A_1404 = arith.addf %broadcast_in_dim3A_9, %get3A_1403 : vector<8x2048xf32>
    %sub3A_1405 = arith.subf %add3A_1404, %slice3A_1400 : vector<8x2048xf32>
    %lt3A_1406 = arith.cmpf olt, %sub3A_1405, %min3A_1396 : vector<8x2048xf32>
    %min3A_1407 = arith.minimumf %min3A_1396, %sub3A_1405 : vector<8x2048xf32>
    %broadcast_in_dim3A_1408 = arith.constant 1.230000e+02 : f32
    %broadcast_in_dim3A_1409 = vector.broadcast %broadcast_in_dim3A_1408 : f32 to vector<8x2048xf32>
    %select_n3A_1410 = arith.select %lt3A_1406, %broadcast_in_dim3A_1409, %select_n3A_1399 : vector<8x2048xi1>, vector<8x2048xf32>
    %slice3A_1411 = vector.extract_strided_slice %dot_general3A_1278 {offsets = [96, 0], sizes = [8, 2048], strides = [1, 1]} : vector<128x2048xf32> to vector<8x2048xf32>
    %get3A_1412 = arith.constant 992 : index
    %get3A_1413 = arith.constant 0 : index
    %get3A_1414 = vector.load %arg6[%get3A_1412, %get3A_1413] : memref<1024x2048xf32, #tpu.memory_space<vmem>>, vector<8x2048xf32>
    %add3A_1415 = arith.addf %broadcast_in_dim3A_9, %get3A_1414 : vector<8x2048xf32>
    %sub3A_1416 = arith.subf %add3A_1415, %slice3A_1411 : vector<8x2048xf32>
    %lt3A_1417 = arith.cmpf olt, %sub3A_1416, %min3A_1407 : vector<8x2048xf32>
    %min3A_1418 = arith.minimumf %min3A_1407, %sub3A_1416 : vector<8x2048xf32>
    %broadcast_in_dim3A_1419 = arith.constant 1.240000e+02 : f32
    %broadcast_in_dim3A_1420 = vector.broadcast %broadcast_in_dim3A_1419 : f32 to vector<8x2048xf32>
    %select_n3A_1421 = arith.select %lt3A_1417, %broadcast_in_dim3A_1420, %select_n3A_1410 : vector<8x2048xi1>, vector<8x2048xf32>
    %slice3A_1422 = vector.extract_strided_slice %dot_general3A_1278 {offsets = [104, 0], sizes = [8, 2048], strides = [1, 1]} : vector<128x2048xf32> to vector<8x2048xf32>
    %get3A_1423 = arith.constant 1000 : index
    %get3A_1424 = arith.constant 0 : index
    %get3A_1425 = vector.load %arg6[%get3A_1423, %get3A_1424] : memref<1024x2048xf32, #tpu.memory_space<vmem>>, vector<8x2048xf32>
    %add3A_1426 = arith.addf %broadcast_in_dim3A_9, %get3A_1425 : vector<8x2048xf32>
    %sub3A_1427 = arith.subf %add3A_1426, %slice3A_1422 : vector<8x2048xf32>
    %lt3A_1428 = arith.cmpf olt, %sub3A_1427, %min3A_1418 : vector<8x2048xf32>
    %min3A_1429 = arith.minimumf %min3A_1418, %sub3A_1427 : vector<8x2048xf32>
    %broadcast_in_dim3A_1430 = arith.constant 1.250000e+02 : f32
    %broadcast_in_dim3A_1431 = vector.broadcast %broadcast_in_dim3A_1430 : f32 to vector<8x2048xf32>
    %select_n3A_1432 = arith.select %lt3A_1428, %broadcast_in_dim3A_1431, %select_n3A_1421 : vector<8x2048xi1>, vector<8x2048xf32>
    %slice3A_1433 = vector.extract_strided_slice %dot_general3A_1278 {offsets = [112, 0], sizes = [8, 2048], strides = [1, 1]} : vector<128x2048xf32> to vector<8x2048xf32>
    %get3A_1434 = arith.constant 1008 : index
    %get3A_1435 = arith.constant 0 : index
    %get3A_1436 = vector.load %arg6[%get3A_1434, %get3A_1435] : memref<1024x2048xf32, #tpu.memory_space<vmem>>, vector<8x2048xf32>
    %add3A_1437 = arith.addf %broadcast_in_dim3A_9, %get3A_1436 : vector<8x2048xf32>
    %sub3A_1438 = arith.subf %add3A_1437, %slice3A_1433 : vector<8x2048xf32>
    %lt3A_1439 = arith.cmpf olt, %sub3A_1438, %min3A_1429 : vector<8x2048xf32>
    %min3A_1440 = arith.minimumf %min3A_1429, %sub3A_1438 : vector<8x2048xf32>
    %broadcast_in_dim3A_1441 = arith.constant 1.260000e+02 : f32
    %broadcast_in_dim3A_1442 = vector.broadcast %broadcast_in_dim3A_1441 : f32 to vector<8x2048xf32>
    %select_n3A_1443 = arith.select %lt3A_1439, %broadcast_in_dim3A_1442, %select_n3A_1432 : vector<8x2048xi1>, vector<8x2048xf32>
    %slice3A_1444 = vector.extract_strided_slice %dot_general3A_1278 {offsets = [120, 0], sizes = [8, 2048], strides = [1, 1]} : vector<128x2048xf32> to vector<8x2048xf32>
    %get3A_1445 = arith.constant 1016 : index
    %get3A_1446 = arith.constant 0 : index
    %get3A_1447 = vector.load %arg6[%get3A_1445, %get3A_1446] : memref<1024x2048xf32, #tpu.memory_space<vmem>>, vector<8x2048xf32>
    %add3A_1448 = arith.addf %broadcast_in_dim3A_9, %get3A_1447 : vector<8x2048xf32>
    %sub3A_1449 = arith.subf %add3A_1448, %slice3A_1444 : vector<8x2048xf32>
    %lt3A_1450 = arith.cmpf olt, %sub3A_1449, %min3A_1440 : vector<8x2048xf32>
    %min3A_1451 = arith.minimumf %min3A_1440, %sub3A_1449 : vector<8x2048xf32>
    %broadcast_in_dim3A_1452 = arith.constant 1.270000e+02 : f32
    %broadcast_in_dim3A_1453 = vector.broadcast %broadcast_in_dim3A_1452 : f32 to vector<8x2048xf32>
    %select_n3A_1454 = arith.select %lt3A_1450, %broadcast_in_dim3A_1453, %select_n3A_1443 : vector<8x2048xi1>, vector<8x2048xf32>
    %reduce_min3A = arith.constant dense<0x7F800000> : vector<2048xf32>
    %reduce_min3A_1455 = vector.multi_reduction <minimumf>, %min3A_1451, %reduce_min3A [0] : vector<8x2048xf32> to vector<2048xf32>
    %broadcast_in_dim3A_1456 = vector.shape_cast %reduce_min3A_1455 : vector<2048xf32> to vector<1x2048xf32>
    %iota3A = tpu.iota {dimensions = array<i32: 0>} : vector<8x2048xi32>
    %convert_element_type3A_1457 = arith.sitofp %iota3A : vector<8x2048xi32> to vector<8x2048xf32>
    %mul3A_1458 = arith.constant 8.000000e+00 : f32
    %mul3A_1459 = vector.broadcast %mul3A_1458 : f32 to vector<8x2048xf32>
    %mul3A_1460 = arith.mulf %select_n3A_1454, %mul3A_1459 : vector<8x2048xf32>
    %add3A_1461 = arith.addf %mul3A_1460, %convert_element_type3A_1457 : vector<8x2048xf32>
    %eq3A_1462 = vector.broadcast %broadcast_in_dim3A_1456 : vector<1x2048xf32> to vector<8x2048xf32>
    %eq3A_1463 = arith.cmpf oeq, %min3A_1451, %eq3A_1462 : vector<8x2048xf32>
    %jit3A = arith.constant 1.024000e+03 : f32
    %broadcast_in_dim3A_1464 = vector.broadcast %jit3A : f32 to vector<8x2048xf32>
    %select_n3A_1465 = arith.select %eq3A_1463, %add3A_1461, %broadcast_in_dim3A_1464 : vector<8x2048xi1>, vector<8x2048xf32>
    %reduce_min3A_1466 = arith.constant dense<0x7F800000> : vector<2048xf32>
    %reduce_min3A_1467 = vector.multi_reduction <minimumf>, %select_n3A_1465, %reduce_min3A_1466 [0] : vector<8x2048xf32> to vector<2048xf32>
    %broadcast_in_dim3A_1468 = vector.shape_cast %reduce_min3A_1467 : vector<2048xf32> to vector<1x2048xf32>
    %convert_element_type3A_1469 = arith.fptosi %broadcast_in_dim3A_1468 : vector<1x2048xf32> to vector<1x2048xi32>
    %reshape3A = vector.shape_cast %convert_element_type3A_1469 : vector<1x2048xi32> to vector<1x1x2048xi32>
    %swap3A = arith.constant 0 : index
    %swap3A_1470 = arith.constant 0 : index
    %swap3A_1471 = arith.constant 0 : index
    %swap3A_1472 = vector.load %arg3[%swap3A, %swap3A_1470, %swap3A_1471] : memref<1x1x2048xi32, #tpu.memory_space<vmem>>, vector<1x1x2048xi32>
    tpu.vector_store %arg3[%swap3A, %swap3A_1470, %swap3A_1471], %reshape3A {strides = array<i32>} : memref<1x1x2048xi32, #tpu.memory_space<vmem>>, vector<1x1x2048xi32>,
    %get3A_1473 = arith.constant 0 : index
    %get3A_1474 = arith.constant 0 : index
    %get3A_1475 = memref.load %arg4[%get3A_1473, %get3A_1474] : memref<1x1xf32, #tpu.memory_space<smem>>
    %reduce_sum3A_1476 = vector.shape_cast %broadcast_in_dim3A_1456 : vector<1x2048xf32> to vector<1x1x2048xf32>
    %reduce_sum3A_1477 = arith.constant dense<0.000000e+00> : vector<1xf32>
    %reduce_sum3A_1478 = vector.multi_reduction <add>, %reduce_sum3A_1476, %reduce_sum3A_1477 [1, 2] : vector<1x1x2048xf32> to vector<1xf32>
    %reduce_sum3A_1479 = vector.shape_cast %reduce_sum3A_1478 : vector<1xf32> to vector<1x1x1xf32>
    %reduce_sum3A_1480 = vector.extract %reduce_sum3A_1479[0, 0, 0] : f32 from vector<1x1x1xf32>
    %add3A_1481 = arith.addf %get3A_1475, %reduce_sum3A_1480 : f32
    %swap3A_1482 = arith.constant 0 : index
    %swap3A_1483 = arith.constant 0 : index
    %swap3A_1484 = memref.load %arg4[%swap3A_1482, %swap3A_1483] : memref<1x1xf32, #tpu.memory_space<smem>>
    memref.store %add3A_1481, %arg4[%swap3A_1482, %swap3A_1483] : memref<1x1xf32, #tpu.memory_space<smem>>
    %eq3A_1485 = arith.constant 7 : i32
    %eq3A_1486 = arith.cmpi eq, %arg0, %eq3A_1485 : i32
    %convert_element_type3A_1487 = arith.extui %eq3A_1486 : i1 to i32
    %cond3A_1488 = arith.constant 0 : i32
    %cond3A_1489 = arith.cmpi ne, %convert_element_type3A_1487, %cond3A_1488 : i32
    scf.if %cond3A_1489 {
      %get3A_1490 = arith.constant 0 : index
      %get3A_1491 = arith.constant 0 : index
      %get3A_1492 = memref.load %arg4[%get3A_1490, %get3A_1491] : memref<1x1xf32, #tpu.memory_space<smem>>
      %mul3A_1493 = arith.constant 1.1920929E-6 : f32
      %mul3A_1494 = arith.mulf %get3A_1492, %mul3A_1493 : f32
      %swap3A_1495 = arith.constant 0 : index
      %swap3A_1496 = arith.constant 0 : index
      %swap3A_1497 = memref.load %arg4[%swap3A_1495, %swap3A_1496] : memref<1x1xf32, #tpu.memory_space<smem>>
      memref.store %mul3A_1494, %arg4[%swap3A_1495, %swap3A_1496] : memref<1x1xf32, #tpu.memory_space<smem>>
    } else {
    }
    return
  }
  func.func @transform_0(%arg0: i32) -> (i32, i32) {
    %c0_i32 = arith.constant 0 : i32
    %c0_i32_0 = arith.constant 0 : i32
    return %arg0, %c0_i32 : i32, i32
  }
  func.func @transform_1(%arg0: i32) -> (i32, i32) {
    %c0_i32 = arith.constant 0 : i32
    %c0_i32_0 = arith.constant 0 : i32
    %c0_i32_1 = arith.constant 0 : i32
    return %c0_i32, %c0_i32_0 : i32, i32
  }
  func.func @transform_2(%arg0: i32) -> (i32, i32, i32) {
    %c0_i32 = arith.constant 0 : i32
    %c0_i32_0 = arith.constant 0 : i32
    %c0_i32_1 = arith.constant 0 : i32
    return %arg0, %c0_i32, %c0_i32_0 : i32, i32, i32
  }
  func.func @transform_3(%arg0: i32) -> (i32, i32) {
    %c0_i32 = arith.constant 0 : i32
    %c0_i32_0 = arith.constant 0 : i32
    %c0_i32_1 = arith.constant 0 : i32
    return %c0_i32, %c0_i32_0 : i32, i32
  }
  func.func @transform_4(%arg0: i32) -> (i32, i32) {
    %c0_i32 = arith.constant 0 : i32
    %c0_i32_0 = arith.constant 0 : i32
    %c0_i32_1 = arith.constant 0 : i32
    return %c0_i32, %c0_i32_0 : i32, i32
  }
}

</mosaic_0001>

<sc_bundles>
// kernel: kernel.4.cloned.1.call-start
scs
__scs_entry_jumppad:
0x0: {  	(pc) =	sbr.rel $0x88, $3  }
0x1: {  	(tag) =	ssettag $0x0;
	lr =	simm.s32 $0x1  }
0x2: {  	[smem:$0x3F9F] =	sst lr;
	_ =	strace $0xD0000000  }
0x3: {  	_ = 	snop  }
0x4: {  	_ = 	snop  }
0x5: {  	_ = 	snop  }
0x6: {  	_ = 	snop  }
0x7: {  	_ = 	snop  }
__scs_overlays_trampoline_lowered:
0x8: {  	[smem:$0x3FAE] =	sst s0  }
0x9: {  	[smem:$0x3FAF] =	sst s1  }
0xa: {  	[smem:$0x3FB0] =	sst s2  }
0xb: {  	[smem:$0x3FB1] =	sst s3  }
0xc: {  	[smem:$0x3FB2] =	sst s4  }
0xd: {  	[smem:$0x3FB3] =	sst s5  }
0xe: {  	[smem:$0x3FB4] =	sst s6  }
0xf: {  	[smem:$0x3FB5] =	sst s7  }
0x10: {  	[smem:$0x3FB6] =	sst s8  }
0x11: {  	[smem:$0x3FB7] =	sst s9;
	s0 =	simm.s32 @!p0 $0x0  }
0x12: {  	s1 =	sld [smem:$0x3F9D];
	s0 =	simm.s32 @p0 $0x1  }
0x13: {  	[smem:$0x3FB8] =	sst s0;
	s0 =	simm.s32 @!p1 $0x0  }
0x14: {  	s2 =	sld [smem:$0x3F9C];
	s0 =	simm.s32 @p1 $0x1  }
0x15: {  	[smem:$0x3FB9] =	sst s0;
	s0 =	simm.s32 @!p2 $0x0  }
0x16: {  	s3 =	sld [smem:$0x3FDB];
	s0 =	simm.s32 @p2 $0x1  }
0x17: {  	s4 =	simm.s32 $0x1BF5;
	[smem:$0x3FBB] =	sst s0  }
0x18: {  	s0 =	sld [smem:$0x3F9E];
	_ =	swait.ge [sflag:s4], $0x0  }
0x19: {  	s7 =	sld [smem:$0x3F9F]  }
0x1a: {  	s8 =	sadd.s32 $0xFFFFE003, lr  }
0x1b: {  	s9 =	sadd.s32 $0xFFFFFEF7, lr;
	s5 =	simm.s32 $0xFFFFFFFF;
	p2 =	slt.u32 s8, $0xFFFFF086  }
0x1c: {  	p1 =	slt.u32 s9, $0xF7A;
	s5 =	simm.s32 @!p2 $0x0  }
0x1d: {  	s5 =	simm.s32 @p1 $0x1;
	p0 =	seq.s32 s7, s2  }
0x1e: {  	s7 =	smul.u32 @!p0 $0xF7A, s2;
	p2 =	seq.s32 @!p0 s5, $0x0  }
0x1f: {  	s9 =	smul.u32 $0xF7A, s1;
	s8 =	simm.s32 @!p0 $0x1BF5;
	p2 =	por !p2, p0  }
0x20: {  	[sflag:s8] =	ssyncset.s32 @!p0 $0xFFFFF086;
	s6 =	sadd.s32 @!p0 s3, s7;
	s7 =	simm.s32 @!p0 $0x108  }
0x21: {  	s3 =	sadd.s32 s3, s9;
	s6 =	sadd.s32 @!p0 $0x88, s6;
	s7 =	simm.s32 @p2 $0x1082  }
0x22: {  	[simem:s7], [sflag:s8] =	dma.local @!p0 [hbm:s6], $0xF7A  }
0x23: {  	s9 =	sor.u32 $0xD0000000, s2;
	s6 =	simm.s32 $0x108;
	_ =	swait.ge @!p0 [sflag:s8], $0x0  }
0x24: {  	s3 =	sadd.s32 $0x88, s3;
	s6 =	simm.s32 @!p1 $0x1082;
	[sflag:s4] =	ssyncset.s32 $0xFFFFF086  }
0x25: {  	[simem:s6], [sflag:s4] =	dma.local [hbm:s3], $0xF7A  }
0x26: {  	[smem:$0x3F9F] =	sst s1;
	(tag) =	ssettag s2;
	_ =	strace s9  }
0x27: {  	s1 =	sld [smem:$0x3FAF]  }
0x28: {  	s2 =	sld [smem:$0x3FB0]  }
0x29: {  	s4 =	sld [smem:$0x3FB2]  }
0x2a: {  	p0 =	seq.s32 s5, $0x0;
	s5 =	sld [smem:$0x3FB3]  }
0x2b: {  	s6 =	sld [smem:$0x3FB4]  }
0x2c: {  	s7 =	sld [smem:$0x3FB5]  }
0x2d: {  	s3 =	simm.s32 $0x108;
	s8 =	sld [smem:$0x3FB6]  }
0x2e: {  	s3 =	simm.s32 @!p0 $0x1082;
	s9 =	sld [smem:$0x3FB7]  }
0x2f: {  	lr =	sadd.s32 s0, s3;
	s0 =	sld [smem:$0x3FAE]  }
0x30: {  	s3 =	sld [smem:$0x3FB1]  }
0x31: {  	[smem:$0x3FBA] =	sst s10  }
0x32: {  	s10 =	sld [smem:$0x3FB8];
	_ =	sdelay $0x3  }
0x33: {  	p0 =	seq.s32 s10, $0x1;
	s10 =	sld [smem:$0x3FBA];
	_ =	sdelay $0x3  }
0x34: {  	[smem:$0x3FBA] =	sst s10  }
0x35: {  	s10 =	sld [smem:$0x3FB9];
	_ =	sdelay $0x3  }
0x36: {  	p1 =	seq.s32 s10, $0x1;
	s10 =	sld [smem:$0x3FBA];
	_ =	sdelay $0x3  }
0x37: {  	[smem:$0x3FBA] =	sst s10  }
0x38: {  	s10 =	sld [smem:$0x3FBB]  }
0x39: {  	_ = 	snop;
	(pc) =	sbr.ind lr, $3  }
0x3a: {  	_ = 	snop  }
0x3b: {  	_ = 	snop  }
0x3c: {  	p2 =	seq.s32 s10, $0x1;
	s10 =	sld [smem:$0x3FBA]  }
0x3d: {  	_ =	shalt  }
0x3e: {  	_ =	shalt  }
0x3f: {  	_ =	shalt  }
0x40: {  	_ =	shalt  }
0x41: {  	_ =	shalt  }
0x42: {  	_ =	shalt  }
0x43: {  	_ =	shalt  }
0x44: {  	_ =	shalt  }
0x45: {  	_ =	shalt  }
0x46: {  	_ =	shalt  }
0x47: {  	_ =	shalt  }
0x48: {  	_ =	shalt  }
0x49: {  	_ =	shalt  }
0x4a: {  	_ =	shalt  }
0x4b: {  	_ =	shalt  }
0x4c: {  	_ =	shalt  }
0x4d: {  	_ =	shalt  }
0x4e: {  	_ =	shalt  }
0x4f: {  	_ =	shalt  }
0x50: {  	_ =	shalt  }
0x51: {  	_ =	shalt  }
0x52: {  	_ =	shalt  }
0x53: {  	_ =	shalt  }
0x54: {  	_ =	shalt  }
0x55: {  	_ =	shalt  }
0x56: {  	_ =	shalt  }
0x57: {  	_ =	shalt  }
0x58: {  	_ =	shalt  }
0x59: {  	_ =	shalt  }
0x5a: {  	_ =	shalt  }
0x5b: {  	_ =	shalt  }
0x5c: {  	_ =	shalt  }
0x5d: {  	_ =	shalt  }
0x5e: {  	_ =	shalt  }
0x5f: {  	_ =	shalt  }
0x60: {  	_ =	shalt  }
0x61: {  	_ =	shalt  }
0x62: {  	_ =	shalt  }
0x63: {  	_ =	shalt  }
0x64: {  	_ =	shalt  }
0x65: {  	_ =	shalt  }
0x66: {  	_ =	shalt  }
0x67: {  	_ =	shalt  }
0x68: {  	_ =	shalt  }
0x69: {  	_ =	shalt  }
0x6a: {  	_ =	shalt  }
0x6b: {  	_ =	shalt  }
0x6c: {  	_ =	shalt  }
0x6d: {  	_ =	shalt  }
0x6e: {  	_ =	shalt  }
0x6f: {  	_ =	shalt  }
0x70: {  	_ =	shalt  }
0x71: {  	_ =	shalt  }
0x72: {  	_ =	shalt  }
0x73: {  	_ =	shalt  }
0x74: {  	_ =	shalt  }
0x75: {  	_ =	shalt  }
0x76: {  	_ =	shalt  }
0x77: {  	_ =	shalt  }
0x78: {  	_ =	shalt  }
0x79: {  	_ =	shalt  }
0x7a: {  	_ =	shalt  }
0x7b: {  	_ =	shalt  }
0x7c: {  	_ =	shalt  }
0x7d: {  	_ =	shalt  }
0x7e: {  	_ =	shalt  }
0x7f: {  	_ =	shalt  }
0x80: {  	_ =	shalt  }
0x81: {  	_ =	shalt  }
0x82: {  	_ =	shalt  }
0x83: {  	_ =	shalt  }
0x84: {  	_ =	shalt  }
0x85: {  	_ =	shalt  }
0x86: {  	_ =	shalt  }
0x87: {  	_ =	shalt  }
.Lfunc_end0:
.L_simem_size_0:
called_computation_lowered:
.L_overlay_start_0:
0x88: {  	s0 =	sld [smem:$0x3FD9]  }
0x89: {  	s1 =	sld [smem:$0x3FFE];
	_ =	sdelay $0x3  }
0x8a: {  	s0 =	sadd.s32 s1, s0  }
0x8b: {  	[smem:$0x3FC6] =	sst s0  }
0x8c: {  	_ = 	snop  }
0x8d: {  	s0 =	sld [smem:$0x3FD0];
	_ =	sdelay $0x2  }
0x8e: {  	s13 =	simm.s32 $0xA;
	s2 =	simm.s32 $0x10  }
0x8f: {  	[smem:s2], [sflag:s13] =	dma.local [hbm:s0], $0x1  }
0x90: {  	_ =	swait.eq [sflag:s13], $0x1  }
0x91: {  	[sflag:s13] =	ssyncset.done $0x0  }
0x92: {  	[sflag:s13] =	ssyncadd.s32 $0xFFFFFFFF  }
0x93: {  	s14 =	sld [smem:$0x10];
	(tm) =	ssettm $0x1  }
0x94: {  	s15 =	sld [smem:$0x3FFB];
	_ =	sdelay $0x3  }
0x95: {  	_ =	strace s15  }
0x96: {  	s1 =	sld [smem:$0x3FFC];
	_ =	sdelay $0x3  }
0x97: {  	_ =	strace s1  }
0x98: {  	s1 =	sld [smem:$0x3FFD];
	_ =	sdelay $0x3  }
0x99: {  	_ =	strace s1  }
0x9a: {  	_ =	strace $0x8FFFFFFF  }
0x9b: {  	s16 =	sld [smem:$0x3FDB];
	_ =	sdelay $0x1  }
0x9c: {  	s17 =	simm.s32 $_scs_section_size  }
0x9d: {  	s3 =	simm.s32 $_size__tile_overlayer_lowered;
	s4 =	simm.s32 $_tile_overlayer_lowered  }
0x9e: {  	s20 =	simm.s32 $0x1BFF;
	s19 =	sshll.u32 s4, $0x1;
	s1 =	sadd.s32 s17, s16  }
0x9f: {  	s5 =	simm.s32 $0x0;
	s18 =	sshll.u32 s3, $0x1;
	s3 =	sadd.s32 s19, s1  }
0xa0: {  	[timem:s5], [sflag:s20] =	dma.local [hbm:s3], s18  }
0xa1: {  	_ =	swait.ge [sflag:s20], s18  }
0xa2: {  	s2 =	ssub.s32 $0x0, s18;
	[sflag:s20] =	ssyncset.done $0x0  }
0xa3: {  	[sflag:s20] =	ssyncadd.s32 s2;
	_ =	sdelay $0x1  }
0xa4: {  	s21 =	simm.s32 $0x1B8B  }
0xa5: {  	_ =	swait.ge [sflag:s21], $0x1  }
0xa6: {  	[sflag:s21] =	ssyncset.done $0x0  }
0xa7: {  	s23 =	simm.s32 $0x1B8E;
	s22 =	sld [smem:$0x3FFE];
	[sflag:s21] =	ssyncadd.s32 $0xFFFFFFFF  }
0xa8: {  	s24 =	simm.s32 $execute0_lowered;
	[smem:$0x3FD2] =	sst s23  }
0xa9: {  	s3 =	sshll.u32 s24, $0x1;
	_ =	strace $0x80000046;
	[dreg:$0x1] =	wrdreg $0xFFFFFFFF  }
0xaa: {  	s25 =	simm.s32 $_size_execute0_lowered;
	s1 =	sadd.s32 s1, s3;
	[dreg:$0x0] =	wrdreg $0x0  }
0xab: {  	s3 =	sshll.u32 s25, $0x1;
	[dreg:$0x2] =	wrdreg s1  }
0xac: {  	[dreg:$0x3] =	wrdreg s3  }
0xad: {  	[dreg:$0x4] =	wrdreg $0xC0  }
0xae: {  	_ =	task [dreg:s5], $0x5FFFF  }
0xaf: {  	[dreg:$0x1] =	wrdreg $0xFFFFFFFF  }
0xb0: {  	[dreg:$0x0] =	wrdreg $0x60  }
0xb1: {  	[dreg:$0x2] =	wrdreg s14  }
0xb2: {  	[dreg:$0x3] =	wrdreg s22  }
0xb3: {  	[dreg:$0x4] =	wrdreg $0x9  }
0xb4: {  	_ =	task.clear_ibuf [dreg:s5], $0x5FFFF;
	_ =	strace $0x90000046  }
0xb5: {  	s26 =	simm.s32 $0x9;
	_ =	strace $0x80000048  }
0xb6: {  	_ =	swait.ge [sflag:s26], $0x1  }
0xb7: {  	[sflag:s26] =	ssyncadd.s32 $0xFFFFFFFF  }
0xb8: {  	_ =	strace $0x90000048  }
0xb9: {  	_ =	sfence  }
0xba: {  	s28 =	sld [smem:$0x0];
	_ =	sdelay $0x1  }
0xbb: {  	s29 =	srdreg.scid  }
0xbc: {  	s30 =	sshll.u32 s29, $0xD;
	s31 =	sshrl.u32 s29, $0x2  }
0xbd: {  	s2 =	sand.u32 $0x4000, s30;
	s1 =	sand.u32 $0x1, s29;
	s0 =	sadd.s32 s31, s28  }
0xbe: {  	s1 =	sor.u32 s2, s1;
	s0 =	sshll.u32 s0, $0x11  }
0xbf: {  	s0 =	sor.u32 s0, s1  }
0xc0: {  	s0 =	sadd.s32 $0x8F2B, s0  }
0xc1: {  	[sflag:s0] =	ssyncadd.remote.s32 $0x1  }
0xc2: {  	_ =	sfence.sel $0xFFFF  }
0xc3: {  	[dreg:$0x0] =	wrdreg $0xFFFFFFFF;
	(pc) =	sbr.abs _section_cstart, $3  }
0xc4: {  	[dreg:$0x1] =	wrdreg $0xFFFFFFFF  }
0xc5: {  	_ =	task.clear_ibuf [dreg:s5], $0x2FFFF;
	_ =	strace $0x9FFFFFFF  }
0xc6: {  	(tm) =	ssettm $0x7FFFFFFF  }
0xc7: {  	_ =	shalt  }
tec
execute0_lowered:
.L_overlay_start_1:
0x0: {  	(tag) =	ssettag $0x1  }
0x1: {  	s3 =	rddreg [dreg:$0x0]  }
0x2: {  	s4 =	rddreg [dreg:$0x1];
	s1 =	stileid.u32  }
0x3: {  	s0 =	rddreg [dreg:$0x2];
	s2 =	simm.s32 $0x0;
	s5 =	sshll.u32 s1, $0x7  }
0x4: {  	[smem:$0x7FF] =	sst s2;
	s5 =	sadd.s32 s5, s4  }
0x5: {  	s15 =	simm.s32 $0x3;
	_ =	strace $0x80000047;
	s5 =	sadd.s32 $0xC00, s5  }
0x6: {  	[tilespmem:s2], [sflag:$0x3] =	stream.linear.gather [hbm4b:s5+s2], $0x400, $0x38;
	[tilespmem:$0x10400] =	vst v63  }
0x7: {  	_ =	swait.ge [sflag:s15], $0x400  }
0x8: {  	[sflag:s15] =	ssyncset.done $0x0  }
0x9: {  	s16 =	simm.s32 $0x80;
	s6 =	simm.s32 $0x400;
	[sflag:s15] =	ssyncadd.s32 $0xFFFFFC00  }
0xa: {  	[tilespmem:s6], [sflag:$0x1] =	stream.indirect.gather [hbm4b:s3+s16], $0x40, s2, s16, $0xb8;
	[tilespmem:$0x10400] =	vst v63  }
0xb: {  	s7 =	simm.s32 $0x2400  }
0xc: {  	[tilespmem:s7], [sflag:$0x1] =	stream.indirect.gather [hbm4b:s3+s16], $0x40, s16, s16, $0xb8;
	[tilespmem:$0x10400] =	vst v63  }
0xd: {  	s8 =	simm.s32 $0x100;
	s9 =	simm.s32 $0x4400  }
0xe: {  	[tilespmem:s9], [sflag:$0x1] =	stream.indirect.gather [hbm4b:s3+s16], $0x40, s8, s16, $0xb8;
	[tilespmem:$0x10400] =	vst v63  }
0xf: {  	s17 =	simm.s32 $0x180;
	s10 =	simm.s32 $0x6400  }
0x10: {  	[tilespmem:s10], [sflag:$0x1] =	stream.indirect.gather [hbm4b:s3+s16], $0x40, s17, s16, $0xb8;
	[tilespmem:$0x10400] =	vst v63  }
0x11: {  	s18 =	simm.s32 $0x200;
	s11 =	simm.s32 $0x8400  }
0x12: {  	[tilespmem:s11], [sflag:$0x1] =	stream.indirect.gather [hbm4b:s3+s16], $0x40, s18, s16, $0xb8;
	[tilespmem:$0x10400] =	vst v63  }
0x13: {  	s19 =	simm.s32 $0x280;
	s12 =	simm.s32 $0xA400  }
0x14: {  	[tilespmem:s12], [sflag:$0x1] =	stream.indirect.gather [hbm4b:s3+s16], $0x40, s19, s16, $0xb8;
	[tilespmem:$0x10400] =	vst v63  }
0x15: {  	s20 =	simm.s32 $0x300;
	s13 =	simm.s32 $0xC400  }
0x16: {  	[tilespmem:s13], [sflag:$0x1] =	stream.indirect.gather [hbm4b:s3+s16], $0x40, s20, s16, $0xb8;
	[tilespmem:$0x10400] =	vst v63  }
0x17: {  	s21 =	simm.s32 $0x380;
	s14 =	simm.s32 $0xE400;
	s22 =	simm.s32 $0x1  }
0x18: {  	[tilespmem:s14], [sflag:$0x1] =	stream.indirect.gather [hbm4b:s3+s16], $0x40, s21, s16, $0xb8;
	[tilespmem:$0x10400] =	vst v63  }
0x19: {  	s23 =	sshll.u32 s1, $0xD;
	_ =	swait.ge [sflag:s22], $0x2000  }
0x1a: {  	s4 =	sadd.s32 s23, s4;
	[sflag:s22] =	ssyncset.done $0x0  }
0x1b: {  	s5 =	sadd.s32 $0x1400, s4;
	[sflag:s22] =	ssyncadd.s32 $0xFFFFE000  }
0x1c: {  	[hbm4b:s5+s2] =	stream.linear.scatter [tilespmem:s6], [sflag:$0x2], $0x2000, $0x38;
	[tilespmem:$0x10400] =	vst v63  }
0x1d: {  	_ =	swait.ge [sflag:s22], $0x2000  }
0x1e: {  	[sflag:s22] =	ssyncset.done $0x0  }
0x1f: {  	s24 =	sadd.s32 $0x1800, s4;
	[sflag:s22] =	ssyncadd.s32 $0xFFFFE000  }
0x20: {  	[hbm4b:s24+s2] =	stream.linear.scatter [tilespmem:s7], [sflag:$0x2], $0x2000, $0x38;
	[tilespmem:$0x10400] =	vst v63  }
0x21: {  	_ =	swait.ge [sflag:s22], $0x2000  }
0x22: {  	[sflag:s22] =	ssyncset.done $0x0  }
0x23: {  	s25 =	sadd.s32 $0x1C00, s4;
	[sflag:s22] =	ssyncadd.s32 $0xFFFFE000  }
0x24: {  	[hbm4b:s25+s2] =	stream.linear.scatter [tilespmem:s9], [sflag:$0x2], $0x2000, $0x38;
	[tilespmem:$0x10400] =	vst v63  }
0x25: {  	_ =	swait.ge [sflag:s22], $0x2000  }
0x26: {  	[sflag:s22] =	ssyncset.done $0x0  }
0x27: {  	s26 =	sadd.s32 $0x2000, s4;
	[sflag:s22] =	ssyncadd.s32 $0xFFFFE000  }
0x28: {  	[hbm4b:s26+s2] =	stream.linear.scatter [tilespmem:s10], [sflag:$0x2], $0x2000, $0x38;
	[tilespmem:$0x10400] =	vst v63  }
0x29: {  	_ =	swait.ge [sflag:s22], $0x2000  }
0x2a: {  	[sflag:s22] =	ssyncset.done $0x0  }
0x2b: {  	s28 =	sadd.s32 $0x2400, s4;
	[sflag:s22] =	ssyncadd.s32 $0xFFFFE000  }
0x2c: {  	[hbm4b:s28+s2] =	stream.linear.scatter [tilespmem:s11], [sflag:$0x2], $0x2000, $0x38;
	[tilespmem:$0x10400] =	vst v63  }
0x2d: {  	_ =	swait.ge [sflag:s22], $0x2000  }
0x2e: {  	[sflag:s22] =	ssyncset.done $0x0  }
0x2f: {  	s29 =	sadd.s32 $0x2800, s4;
	[sflag:s22] =	ssyncadd.s32 $0xFFFFE000  }
0x30: {  	[hbm4b:s29+s2] =	stream.linear.scatter [tilespmem:s12], [sflag:$0x2], $0x2000, $0x38;
	[tilespmem:$0x10400] =	vst v63  }
0x31: {  	_ =	swait.ge [sflag:s22], $0x2000  }
0x32: {  	[sflag:s22] =	ssyncset.done $0x0  }
0x33: {  	s30 =	sadd.s32 $0x2C00, s4;
	[sflag:s22] =	ssyncadd.s32 $0xFFFFE000  }
0x34: {  	[hbm4b:s30+s2] =	stream.linear.scatter [tilespmem:s13], [sflag:$0x2], $0x2000, $0x38;
	[tilespmem:$0x10400] =	vst v63  }
0x35: {  	_ =	swait.ge [sflag:s22], $0x2000  }
0x36: {  	[sflag:s22] =	ssyncset.done $0x0  }
0x37: {  	s31 =	simm.s32 $0x2;
	s4 =	sadd.s32 $0x3000, s4;
	[sflag:s22] =	ssyncadd.s32 $0xFFFFE000  }
0x38: {  	[hbm4b:s4+s2] =	stream.linear.scatter [tilespmem:s14], [sflag:$0x2], $0x2000, $0x38;
	[tilespmem:$0x10400] =	vst v63  }
0x39: {  	_ =	swait.ge [sflag:s31], $0x2000  }
0x3a: {  	[sflag:s31] =	ssyncset.done $0x0  }
0x3b: {  	[sflag:s31] =	ssyncadd.s32 $0xFFFFE000  }
0x3c: {  	_ =	swait.ge [sflag:s31], $0x2000  }
0x3d: {  	[sflag:s31] =	ssyncset.done $0x0  }
0x3e: {  	[sflag:s31] =	ssyncadd.s32 $0xFFFFE000  }
0x3f: {  	_ =	swait.ge [sflag:s31], $0x2000  }
0x40: {  	[sflag:s31] =	ssyncset.done $0x0  }
0x41: {  	[sflag:s31] =	ssyncadd.s32 $0xFFFFE000  }
0x42: {  	_ =	swait.ge [sflag:s31], $0x2000  }
0x43: {  	[sflag:s31] =	ssyncset.done $0x0  }
0x44: {  	[sflag:s31] =	ssyncadd.s32 $0xFFFFE000  }
0x45: {  	_ =	swait.ge [sflag:s31], $0x2000  }
0x46: {  	[sflag:s31] =	ssyncset.done $0x0  }
0x47: {  	[sflag:s31] =	ssyncadd.s32 $0xFFFFE000  }
0x48: {  	_ =	swait.ge [sflag:s31], $0x2000  }
0x49: {  	[sflag:s31] =	ssyncset.done $0x0  }
0x4a: {  	[sflag:s31] =	ssyncadd.s32 $0xFFFFE000  }
0x4b: {  	_ =	swait.ge [sflag:s31], $0x2000  }
0x4c: {  	[sflag:s31] =	ssyncset.done $0x0  }
0x4d: {  	[sflag:s31] =	ssyncadd.s32 $0xFFFFE000  }
0x4e: {  	_ =	swait.ge [sflag:s31], $0x2000  }
0x4f: {  	[sflag:s31] =	ssyncset.done $0x0  }
0x50: {  	[sflag:s31] =	ssyncadd.s32 $0xFFFFE000  }
0x51: {  	_ =	sfence.sel $0x180000  }
0x52: {  	[bflag:$0x0] =	sbarrier.arrive $0xFFFF  }
0x53: {  	p0 =	sne.s32 s1, $0x0;
	_ =	strace $0x90000047  }
0x54: {  	s0 =	sadd.s32 @!p0 $0x100000, s0;
	[bflag:$0x2] =	sbarrier.arrive $0xFFFF  }
0x55: {  	[sflag:s0] =	ssyncadd.tile.s32 @!p0 $0x1;
	_ =	shalt  }
.Lfunc_end2:
_tile_overlayer_lowered:
.L_overlay_start_2:
0x56: {  	(tag) =	ssettag $0x2  }
0x57: {  	s0 =	rddreg [dreg:$0x0];
	s2 =	stileid.u32  }
0x58: {  	s1 =	rddreg [dreg:$0x1];
	p0 =	sne.s32 s2, $0x0  }
0x59: {  	s3 =	rddreg [dreg:$0x2];
	[bflag:$0x3] =	sbarrier.arrive $0xFFFF;
	s2 =	simm.s32 @!p0 $0x1C03  }
0x5a: {  	[timem:s3], [sflag:s2] =	dma.local @!p0 [hbm:s0], s1  }
0x5b: {  	s0 =	simm.s32 @!p0 $0x3  }
0x5c: {  	_ =	swait.ge @!p0 [sflag:s0], s1  }
0x5d: {  	s1 =	ssub.s32 @!p0 $0x0, s1;
	[sflag:s0] =	ssyncset.done @!p0 $0x0  }
0x5e: {  	[sflag:s0] =	ssyncadd.s32 @!p0 s1  }
0x5f: {  	[bflag:$0x3] =	sbarrier.arrive $0xFFFF  }
0x60: {  	_ =	shalt  }

</sc_bundles>
